<compile_context>
chip_gen: v7x
topology: tpu7x:2x2x1
jax: 0.10.2.dev20260603
libtpu: 0.0.44.dev20260713+nightly
codegen_flags: <defaults>
</compile_context>

<pallas_src>
import functools

import jax
import jax.numpy as jnp
from jax import lax
from jax.experimental import pallas as pl
from jax.experimental.pallas import tpu as pltpu
from jax.experimental.pallas import tpu_sc as plsc

NUM_ROWS = 16384
NUM_COLS = 26
NUM_EMB = 1000000
DIM = 64
PCOLS = 32
PDIM = 128

_info = plsc.get_sparse_core_info()
NC = _info.num_cores
NS = _info.num_subcores
NW = NC * NS
ROWS_PER_W = NUM_ROWS // NW
B_PER_W = ROWS_PER_W * NUM_COLS
CROWS = 4
CHUNK = CROWS * PCOLS * 2
N_CHUNKS = ROWS_PER_W // CROWS
NBUF = 2
LANES = 16

assert N_CHUNKS * CROWS == ROWS_PER_W
assert N_CHUNKS % 2 == 0


def _body(x_hbm, w_hbm, out_hbm, idx2d_v, idx_v, rows_v, *sems):
    gsem = sems[:NBUF]
    osem = sems[NBUF:]
    wid = lax.axis_index("s") * NC + lax.axis_index("c")
    row0 = wid * ROWS_PER_W

    pltpu.sync_copy(x_hbm.at[pl.ds(row0, ROWS_PER_W)], idx2d_v)

    lane = lax.broadcasted_iota(jnp.int32, (LANES,), 0)
    zeros = jnp.zeros((LANES,), jnp.int32)

    def zero_step(t, _):
        idx_v[t // (CHUNK // LANES), pl.ds((t % (CHUNK // LANES)) * LANES, LANES)] = zeros
        return ()

    lax.fori_loop(0, N_CHUNKS * CHUNK // LANES, zero_step, ())

    def xform_step(t, _):
        p = t * LANES + lane
        r = p // NUM_COLS
        c = p % NUM_COLS
        v = plsc.load_gather(idx2d_v, [r, c])
        plsc.store_scatter(
            idx_v, [r // CROWS, (r % CROWS) * PCOLS * 2 + c + c], v + v
        )
        return ()

    lax.fori_loop(0, B_PER_W // LANES, xform_step, ())

    def fire_gather(g, b):
        pltpu.async_copy(w_hbm.at[idx_v.at[g]], rows_v.at[b], gsem[b])

    def wait_gather(b):
        pltpu.make_async_copy(
            w_hbm.at[idx_v.at[0]], rows_v.at[b], gsem[b]
        ).wait()

    def fire_out(g, b):
        pltpu.async_copy(
            rows_v.at[b],
            out_hbm.at[pl.ds((row0 + g * CROWS) * PCOLS * 2, CHUNK)],
            osem[b],
        )

    def wait_out(b):
        pltpu.make_async_copy(
            rows_v.at[b], out_hbm.at[pl.ds(row0 * PCOLS * 2, CHUNK)], osem[b]
        ).wait()

    fire_gather(0, 0)

    wait_gather(0)
    fire_out(0, 0)
    fire_gather(1, 1)

    def pair(k, _):
        g = 2 * k + 1
        wait_gather(1)
        fire_out(g, 1)
        wait_out(0)
        fire_gather(g + 1, 0)
        wait_gather(0)
        fire_out(g + 1, 0)
        wait_out(1)
        fire_gather(g + 2, 1)
        return ()

    lax.fori_loop(0, (N_CHUNKS - 2) // 2, pair, ())

    wait_gather(1)
    fire_out(N_CHUNKS - 1, 1)
    wait_out(0)
    wait_out(1)


def kernel(x, weight):
    wp = jnp.pad(
        weight.reshape(NUM_EMB // 8, 8, DIM), ((0, 0), (0, 0), (0, PDIM - DIM))
    ).reshape(2 * NUM_EMB, DIM)
    mesh = plsc.VectorSubcoreMesh(core_axis_name="c", subcore_axis_name="s")
    run = functools.partial(
        pl.kernel,
        mesh=mesh,
        out_type=jax.ShapeDtypeStruct((NUM_ROWS * PCOLS * 2, DIM), jnp.float32),
        scratch_types=[
            pltpu.VMEM((ROWS_PER_W, NUM_COLS), jnp.int32),
            pltpu.VMEM((N_CHUNKS, CHUNK), jnp.int32),
            pltpu.VMEM((NBUF, CHUNK, DIM), jnp.float32),
        ]
        + [pltpu.SemaphoreType.DMA] * (2 * NBUF),
        compiler_params=pltpu.CompilerParams(
            use_tc_tiling_on_sc=False, needs_layout_passes=False
        ),
    )(_body)
    out2 = run(x, wp)
    return out2.reshape(NUM_ROWS, PCOLS, PDIM)[:, :NUM_COLS, :DIM]

# --- scband reference (transcript-rebuilt; emitter-appended) ---
"""Pipeline reference for scband-embedding-78280073937448 (READ-ONLY COPY).

The authoritative reference and input builder live on the scoring server;
editing this copy changes nothing except your own understanding.
"""

import jax, jax.numpy as jnp
import numpy as np

NUM_EMBEDDINGS = 1000000
EMBEDDING_DIM = 64

def setup_inputs(seed: int = 0) -> dict:
    key = jax.random.key(seed)
    k_idx, k_w = jax.random.split(key)
    x = jax.random.randint(k_idx, (16384, 26), 0, NUM_EMBEDDINGS, dtype=jnp.int64 if jax.config.jax_enable_x64 else jnp.int32)
    weight = jax.random.normal(k_w, (NUM_EMBEDDINGS, EMBEDDING_DIM), dtype=jnp.float32) * 0.02
    return {"x": x, "weight": weight}

def reference(x, weight):
    # Embedding lookup: for each integer in x, return that row of weight.
    return jnp.take(weight, x, axis=0)

if __name__ == "__main__":
    import jax
    _d = setup_inputs()
    print(jax.jit(kernel)(*tuple(_d.values())))

</pallas_src>

<mosaic_0001>
#map = affine_map<(d0, d1) -> (0, 0)>
module attributes {stable_mosaic.version = 14 : i64} {
  func.func @_body(%arg0: i32, %arg1: i32, %arg2: memref<16384x26xi32, #tpu.memory_space<hbm>>, %arg3: memref<2000000x64xf32, #tpu.memory_space<hbm>>, %arg4: memref<1048576x64xf32, #tpu.memory_space<hbm>>, %arg5: memref<512x26xi32, #tpu.memory_space<vmem>>, %arg6: memref<128x256xi32, #tpu.memory_space<vmem>>, %arg7: memref<2x256x64xf32, #tpu.memory_space<vmem>>, %arg8: memref<!tpu.dma_semaphore, #tpu.memory_space<semaphore_mem>>, %arg9: memref<!tpu.dma_semaphore, #tpu.memory_space<semaphore_mem>>, %arg10: memref<!tpu.dma_semaphore, #tpu.memory_space<semaphore_mem>>, %arg11: memref<!tpu.dma_semaphore, #tpu.memory_space<semaphore_mem>>) attributes {dimension_semantics = [#tpu.dimension_semantics<core_parallel>, #tpu.dimension_semantics<subcore_parallel>], iteration_bounds = array<i64: 2, 16>, scalar_prefetch = 0 : i64, scratch_operands = 7 : i64, tpu.core_type = #tpu.core_type<sc_vector_subcore>, window_params = [{transform_indices = #map}, {transform_indices = #map}, {transform_indices = #map}]} {
    %mul3A = arith.constant 2 : i32
    %mul3A_0 = arith.muli %arg1, %mul3A : i32
    %add3A = arith.addi %mul3A_0, %arg0 : i32
    %mul3A_1 = arith.constant 512 : i32
    %mul3A_2 = arith.muli %add3A, %mul3A_1 : i32
    "tpu.region"() ({
      %run_scoped3A = tpu.sem_alloc : memref<!tpu.dma_semaphore, #tpu.memory_space<semaphore_mem>>
      %dma_start3A_136 = arith.constant 0 : i32
      %dma_start3A_137 = tpu.memref_slice %arg2[%mul3A_2, %dma_start3A_136] : memref<16384x26xi32, #tpu.memory_space<hbm>> -> memref<512x26xi32, #tpu.memory_space<hbm>>
      %dma_start3A_138 = arith.constant 0 : i32
      %dma_start3A_139 = tpu.memref_slice %arg2[%mul3A_2, %dma_start3A_138] : memref<16384x26xi32, #tpu.memory_space<hbm>> -> memref<512x26xi32, #tpu.memory_space<hbm>>
      tpu.enqueue_dma source(%dma_start3A_139 : memref<512x26xi32, #tpu.memory_space<hbm>>) target(%arg5 : memref<512x26xi32, #tpu.memory_space<vmem>>) target_semaphore(%run_scoped3A : memref<!tpu.dma_semaphore, #tpu.memory_space<semaphore_mem>>)
      %dma_wait3A_140 = arith.constant 0 : i32
      %dma_wait3A_141 = tpu.memref_slice %arg2[%mul3A_2, %dma_wait3A_140] : memref<16384x26xi32, #tpu.memory_space<hbm>> -> memref<512x26xi32, #tpu.memory_space<hbm>>
      %dma_wait3A_142 = arith.constant 0 : i32
      %dma_wait3A_143 = tpu.memref_slice %arg2[%mul3A_2, %dma_wait3A_142] : memref<16384x26xi32, #tpu.memory_space<hbm>> -> memref<512x26xi32, #tpu.memory_space<hbm>>
      tpu.wait_dma2 semaphore(%run_scoped3A : memref<!tpu.dma_semaphore, #tpu.memory_space<semaphore_mem>>) src(%dma_wait3A_143 : memref<512x26xi32, #tpu.memory_space<hbm>>) dst(%arg5 : memref<512x26xi32, #tpu.memory_space<vmem>>)
      tpu.yield
    }) : () -> ()
    %iota3A = tpu.iota {dimensions = array<i32: 0>} : vector<16xi32>
    %broadcast_in_dim3A = arith.constant 0 : i32
    %broadcast_in_dim3A_3 = vector.broadcast %broadcast_in_dim3A : i32 to vector<16xi32>
    %scan3A = arith.constant 0 : i32
    %scan3A_4 = arith.constant 2048 : i32
    %scan3A_5 = arith.addi %scan3A, %scan3A_4 : i32
    %scan3A_6 = arith.constant 1 : i32
    scf.for %scan3A_136 = %scan3A to %scan3A_5 step %scan3A_6  : i32 {
      %jit3A = arith.constant 16 : i32
      %div3A = arith.divsi %scan3A_136, %jit3A : i32
      %sign3A = arith.constant 0 : i32
      %sign3A_137 = arith.cmpi sgt, %scan3A_136, %sign3A : i32
      %sign3A_138 = arith.extui %sign3A_137 : i1 to i32
      %sign3A_139 = arith.constant 0 : i32
      %sign3A_140 = arith.cmpi slt, %scan3A_136, %sign3A_139 : i32
      %sign3A_141 = arith.extui %sign3A_140 : i1 to i32
      %sign3A_142 = arith.subi %sign3A_138, %sign3A_141 : i32
      %sign3A_143 = arith.constant 0 : i32
      %sign3A_144 = arith.cmpi sgt, %jit3A, %sign3A_143 : i32
      %sign3A_145 = arith.extui %sign3A_144 : i1 to i32
      %sign3A_146 = arith.constant 0 : i32
      %sign3A_147 = arith.cmpi slt, %jit3A, %sign3A_146 : i32
      %sign3A_148 = arith.extui %sign3A_147 : i1 to i32
      %sign3A_149 = arith.subi %sign3A_145, %sign3A_148 : i32
      %ne3A = arith.cmpi ne, %sign3A_142, %sign3A_149 : i32
      %rem3A = arith.remsi %scan3A_136, %jit3A : i32
      %ne3A_150 = arith.constant 0 : i32
      %ne3A_151 = arith.cmpi ne, %rem3A, %ne3A_150 : i32
      %and3A = arith.andi %ne3A, %ne3A_151 : i1
      %sub3A = arith.constant 1 : i32
      %sub3A_152 = arith.subi %div3A, %sub3A : i32
      %select_n3A = arith.select %and3A, %sub3A_152, %div3A : i32
      %jit3A_153 = arith.constant 16 : i32
      %eq3A = arith.constant 0 : i32
      %eq3A_154 = arith.cmpi eq, %jit3A_153, %eq3A : i32
      %jit3A_155 = arith.constant 1 : i32
      %select_n3A_156 = arith.select %eq3A_154, %jit3A_155, %jit3A_153 : i32
      %rem3A_157 = arith.remsi %scan3A_136, %select_n3A_156 : i32
      %ne3A_158 = arith.constant 0 : i32
      %ne3A_159 = arith.cmpi ne, %rem3A_157, %ne3A_158 : i32
      %lt3A = arith.constant 0 : i32
      %lt3A_160 = arith.cmpi slt, %rem3A_157, %lt3A : i32
      %lt3A_161 = arith.constant 0 : i32
      %lt3A_162 = arith.cmpi slt, %select_n3A_156, %lt3A_161 : i32
      %ne3A_163 = arith.xori %lt3A_160, %lt3A_162 : i1
      %and3A_164 = arith.andi %ne3A_163, %ne3A_159 : i1
      %add3A_165 = arith.addi %rem3A_157, %select_n3A_156 : i32
      %select_n3A_166 = arith.select %and3A_164, %add3A_165, %rem3A_157 : i32
      %mul3A_167 = arith.constant 16 : i32
      %mul3A_168 = arith.muli %select_n3A_166, %mul3A_167 : i32
      %swap3A = arith.index_cast %select_n3A : i32 to index
      %swap3A_169 = arith.index_cast %mul3A_168 : i32 to index
      %swap3A_170 = tpu.vector_load %arg6[%swap3A, %swap3A_169] {strides = array<i32>} : memref<128x256xi32, #tpu.memory_space<vmem>>, vector<16xi32>,
      tpu.vector_store %arg6[%swap3A, %swap3A_169], %broadcast_in_dim3A_3 {strides = array<i32>} : memref<128x256xi32, #tpu.memory_space<vmem>>, vector<16xi32>,
    }
    %scan3A_7 = arith.constant 2048 : i32
    %scan3A_8 = arith.constant 0 : i32
    %scan3A_9 = arith.constant 832 : i32
    %scan3A_10 = arith.addi %scan3A_8, %scan3A_9 : i32
    %scan3A_11 = arith.constant 1 : i32
    scf.for %scan3A_136 = %scan3A_8 to %scan3A_10 step %scan3A_11  : i32 {
      %mul3A_137 = arith.constant 16 : i32
      %mul3A_138 = arith.muli %scan3A_136, %mul3A_137 : i32
      %add3A_139 = vector.broadcast %mul3A_138 : i32 to vector<16xi32>
      %add3A_140 = arith.addi %add3A_139, %iota3A : vector<16xi32>
      %jit3A = arith.constant 26 : i32
      %div3A = vector.broadcast %jit3A : i32 to vector<16xi32>
      %div3A_141 = arith.divsi %add3A_140, %div3A : vector<16xi32>
      %sign3A = arith.constant 0 : i32
      %sign3A_142 = vector.broadcast %sign3A : i32 to vector<16xi32>
      %sign3A_143 = arith.cmpi sgt, %add3A_140, %sign3A_142 : vector<16xi32>
      %sign3A_144 = arith.extui %sign3A_143 : vector<16xi1> to vector<16xi32>
      %sign3A_145 = arith.constant 0 : i32
      %sign3A_146 = vector.broadcast %sign3A_145 : i32 to vector<16xi32>
      %sign3A_147 = arith.cmpi slt, %add3A_140, %sign3A_146 : vector<16xi32>
      %sign3A_148 = arith.extui %sign3A_147 : vector<16xi1> to vector<16xi32>
      %sign3A_149 = arith.subi %sign3A_144, %sign3A_148 : vector<16xi32>
      %sign3A_150 = arith.constant 0 : i32
      %sign3A_151 = arith.cmpi sgt, %jit3A, %sign3A_150 : i32
      %sign3A_152 = arith.extui %sign3A_151 : i1 to i32
      %sign3A_153 = arith.constant 0 : i32
      %sign3A_154 = arith.cmpi slt, %jit3A, %sign3A_153 : i32
      %sign3A_155 = arith.extui %sign3A_154 : i1 to i32
      %sign3A_156 = arith.subi %sign3A_152, %sign3A_155 : i32
      %ne3A = vector.broadcast %sign3A_156 : i32 to vector<16xi32>
      %ne3A_157 = arith.cmpi ne, %sign3A_149, %ne3A : vector<16xi32>
      %rem3A = vector.broadcast %jit3A : i32 to vector<16xi32>
      %rem3A_158 = arith.remsi %add3A_140, %rem3A : vector<16xi32>
      %ne3A_159 = arith.constant 0 : i32
      %ne3A_160 = vector.broadcast %ne3A_159 : i32 to vector<16xi32>
      %ne3A_161 = arith.cmpi ne, %rem3A_158, %ne3A_160 : vector<16xi32>
      %and3A = arith.andi %ne3A_157, %ne3A_161 : vector<16xi1>
      %sub3A = arith.constant 1 : i32
      %sub3A_162 = vector.broadcast %sub3A : i32 to vector<16xi32>
      %sub3A_163 = arith.subi %div3A_141, %sub3A_162 : vector<16xi32>
      %select_n3A = arith.select %and3A, %sub3A_163, %div3A_141 : vector<16xi1>, vector<16xi32>
      %jit3A_164 = arith.constant 26 : i32
      %eq3A = arith.constant 0 : i32
      %eq3A_165 = arith.cmpi eq, %jit3A_164, %eq3A : i32
      %jit3A_166 = arith.constant 1 : i32
      %select_n3A_167 = arith.select %eq3A_165, %jit3A_166, %jit3A_164 : i32
      %rem3A_168 = vector.broadcast %select_n3A_167 : i32 to vector<16xi32>
      %rem3A_169 = arith.remsi %add3A_140, %rem3A_168 : vector<16xi32>
      %ne3A_170 = arith.constant 0 : i32
      %ne3A_171 = vector.broadcast %ne3A_170 : i32 to vector<16xi32>
      %ne3A_172 = arith.cmpi ne, %rem3A_169, %ne3A_171 : vector<16xi32>
      %lt3A = arith.constant 0 : i32
      %lt3A_173 = vector.broadcast %lt3A : i32 to vector<16xi32>
      %lt3A_174 = arith.cmpi slt, %rem3A_169, %lt3A_173 : vector<16xi32>
      %lt3A_175 = arith.constant 0 : i32
      %lt3A_176 = arith.cmpi slt, %select_n3A_167, %lt3A_175 : i32
      %ne3A_177 = vector.broadcast %lt3A_176 : i1 to vector<16xi1>
      %ne3A_178 = vector.broadcast %ne3A_177 : vector<16xi1> to vector<16xi1>
      %ne3A_179 = arith.xori %lt3A_174, %ne3A_178 : vector<16xi1>
      %and3A_180 = arith.andi %ne3A_179, %ne3A_172 : vector<16xi1>
      %add3A_181 = vector.broadcast %select_n3A_167 : i32 to vector<16xi32>
      %add3A_182 = arith.addi %rem3A_169, %add3A_181 : vector<16xi32>
      %select_n3A_183 = arith.select %and3A_180, %add3A_182, %rem3A_169 : vector<16xi1>, vector<16xi32>
      %gather3A = tpu.vector_load_idx %arg5[%select_n3A, %select_n3A_183] : memref<512x26xi32, #tpu.memory_space<vmem>>[vector<16xi32>, vector<16xi32>], vector<16xi32>,
      %jit3A_184 = arith.constant 4 : i32
      %div3A_185 = vector.broadcast %jit3A_184 : i32 to vector<16xi32>
      %div3A_186 = arith.divsi %select_n3A, %div3A_185 : vector<16xi32>
      %sign3A_187 = arith.constant 0 : i32
      %sign3A_188 = vector.broadcast %sign3A_187 : i32 to vector<16xi32>
      %sign3A_189 = arith.cmpi sgt, %select_n3A, %sign3A_188 : vector<16xi32>
      %sign3A_190 = arith.extui %sign3A_189 : vector<16xi1> to vector<16xi32>
      %sign3A_191 = arith.constant 0 : i32
      %sign3A_192 = vector.broadcast %sign3A_191 : i32 to vector<16xi32>
      %sign3A_193 = arith.cmpi slt, %select_n3A, %sign3A_192 : vector<16xi32>
      %sign3A_194 = arith.extui %sign3A_193 : vector<16xi1> to vector<16xi32>
      %sign3A_195 = arith.subi %sign3A_190, %sign3A_194 : vector<16xi32>
      %sign3A_196 = arith.constant 0 : i32
      %sign3A_197 = arith.cmpi sgt, %jit3A_184, %sign3A_196 : i32
      %sign3A_198 = arith.extui %sign3A_197 : i1 to i32
      %sign3A_199 = arith.constant 0 : i32
      %sign3A_200 = arith.cmpi slt, %jit3A_184, %sign3A_199 : i32
      %sign3A_201 = arith.extui %sign3A_200 : i1 to i32
      %sign3A_202 = arith.subi %sign3A_198, %sign3A_201 : i32
      %ne3A_203 = vector.broadcast %sign3A_202 : i32 to vector<16xi32>
      %ne3A_204 = arith.cmpi ne, %sign3A_195, %ne3A_203 : vector<16xi32>
      %rem3A_205 = vector.broadcast %jit3A_184 : i32 to vector<16xi32>
      %rem3A_206 = arith.remsi %select_n3A, %rem3A_205 : vector<16xi32>
      %ne3A_207 = arith.constant 0 : i32
      %ne3A_208 = vector.broadcast %ne3A_207 : i32 to vector<16xi32>
      %ne3A_209 = arith.cmpi ne, %rem3A_206, %ne3A_208 : vector<16xi32>
      %and3A_210 = arith.andi %ne3A_204, %ne3A_209 : vector<16xi1>
      %sub3A_211 = arith.constant 1 : i32
      %sub3A_212 = vector.broadcast %sub3A_211 : i32 to vector<16xi32>
      %sub3A_213 = arith.subi %div3A_186, %sub3A_212 : vector<16xi32>
      %select_n3A_214 = arith.select %and3A_210, %sub3A_213, %div3A_186 : vector<16xi1>, vector<16xi32>
      %jit3A_215 = arith.constant 4 : i32
      %eq3A_216 = arith.constant 0 : i32
      %eq3A_217 = arith.cmpi eq, %jit3A_215, %eq3A_216 : i32
      %jit3A_218 = arith.constant 1 : i32
      %select_n3A_219 = arith.select %eq3A_217, %jit3A_218, %jit3A_215 : i32
      %rem3A_220 = vector.broadcast %select_n3A_219 : i32 to vector<16xi32>
      %rem3A_221 = arith.remsi %select_n3A, %rem3A_220 : vector<16xi32>
      %ne3A_222 = arith.constant 0 : i32
      %ne3A_223 = vector.broadcast %ne3A_222 : i32 to vector<16xi32>
      %ne3A_224 = arith.cmpi ne, %rem3A_221, %ne3A_223 : vector<16xi32>
      %lt3A_225 = arith.constant 0 : i32
      %lt3A_226 = vector.broadcast %lt3A_225 : i32 to vector<16xi32>
      %lt3A_227 = arith.cmpi slt, %rem3A_221, %lt3A_226 : vector<16xi32>
      %lt3A_228 = arith.constant 0 : i32
      %lt3A_229 = arith.cmpi slt, %select_n3A_219, %lt3A_228 : i32
      %ne3A_230 = vector.broadcast %lt3A_229 : i1 to vector<16xi1>
      %ne3A_231 = vector.broadcast %ne3A_230 : vector<16xi1> to vector<16xi1>
      %ne3A_232 = arith.xori %lt3A_227, %ne3A_231 : vector<16xi1>
      %and3A_233 = arith.andi %ne3A_232, %ne3A_224 : vector<16xi1>
      %add3A_234 = vector.broadcast %select_n3A_219 : i32 to vector<16xi32>
      %add3A_235 = arith.addi %rem3A_221, %add3A_234 : vector<16xi32>
      %select_n3A_236 = arith.select %and3A_233, %add3A_235, %rem3A_221 : vector<16xi1>, vector<16xi32>
      %mul3A_237 = arith.constant 32 : i32
      %mul3A_238 = vector.broadcast %mul3A_237 : i32 to vector<16xi32>
      %mul3A_239 = arith.muli %select_n3A_236, %mul3A_238 : vector<16xi32>
      %mul3A_240 = arith.constant 2 : i32
      %mul3A_241 = vector.broadcast %mul3A_240 : i32 to vector<16xi32>
      %mul3A_242 = arith.muli %mul3A_239, %mul3A_241 : vector<16xi32>
      %add3A_243 = arith.addi %mul3A_242, %select_n3A_183 : vector<16xi32>
      %add3A_244 = arith.addi %add3A_243, %select_n3A_183 : vector<16xi32>
      %add3A_245 = arith.addi %gather3A, %gather3A : vector<16xi32>
      tpu.vector_store_idx %arg6[%select_n3A_214, %add3A_244], %add3A_245 : memref<128x256xi32, #tpu.memory_space<vmem>>[vector<16xi32>, vector<16xi32>], vector<16xi32>,
    }
    %scan3A_12 = arith.constant 832 : i32
    %dma_start3A = arith.constant 0 : i32
    %dma_start3A_13 = arith.constant 0 : i32
    %dma_start3A_14 = arith.constant 0 : i32
    %dma_start3A_15 = arith.constant 0 : i32
    %dma_start3A_16 = tpu.memref_slice %arg7[%dma_start3A_13, %dma_start3A_14, %dma_start3A_15] : memref<2x256x64xf32, #tpu.memory_space<vmem>> -> memref<1x256x64xf32, #tpu.memory_space<vmem>>
    %dma_start3A_17 = tpu.memref_squeeze %dma_start3A_16 : memref<1x256x64xf32, #tpu.memory_space<vmem>> -> memref<256x64xf32, #tpu.memory_space<vmem>>
    %dma_start3A_18 = arith.constant 0 : i32
    %dma_start3A_19 = tpu.memref_slice %arg6[%dma_start3A, %dma_start3A_18] : memref<128x256xi32, #tpu.memory_space<vmem>> -> memref<1x256xi32, #tpu.memory_space<vmem>>
    %dma_start3A_20 = tpu.memref_squeeze %dma_start3A_19 : memref<1x256xi32, #tpu.memory_space<vmem>> -> memref<256xi32, #tpu.memory_space<vmem>>
    %dma_start3A_21 = arith.constant 0 : i32
    %dma_start3A_22 = arith.constant 0 : i32
    %dma_start3A_23 = tpu.memref_slice %arg3[%dma_start3A_21, %dma_start3A_22] : memref<2000000x64xf32, #tpu.memory_space<hbm>> -> memref<2000000x64xf32, #tpu.memory_space<hbm>>
    tpu.enqueue_indirect_dma source(%dma_start3A_23 : memref<2000000x64xf32, #tpu.memory_space<hbm>>) target(%dma_start3A_17 : memref<256x64xf32, #tpu.memory_space<vmem>>) offsets(%dma_start3A_20 : memref<256xi32, #tpu.memory_space<vmem>>) semaphore(%arg8 : memref<!tpu.dma_semaphore, #tpu.memory_space<semaphore_mem>>)
    %dma_wait3A = arith.constant 0 : i32
    %dma_wait3A_24 = arith.constant 0 : i32
    %dma_wait3A_25 = arith.constant 0 : i32
    %dma_wait3A_26 = arith.constant 0 : i32
    %dma_wait3A_27 = tpu.memref_slice %arg7[%dma_wait3A_24, %dma_wait3A_25, %dma_wait3A_26] : memref<2x256x64xf32, #tpu.memory_space<vmem>> -> memref<1x256x64xf32, #tpu.memory_space<vmem>>
    %dma_wait3A_28 = tpu.memref_squeeze %dma_wait3A_27 : memref<1x256x64xf32, #tpu.memory_space<vmem>> -> memref<256x64xf32, #tpu.memory_space<vmem>>
    %dma_wait3A_29 = arith.constant 0 : i32
    %dma_wait3A_30 = tpu.memref_slice %arg6[%dma_wait3A, %dma_wait3A_29] : memref<128x256xi32, #tpu.memory_space<vmem>> -> memref<1x256xi32, #tpu.memory_space<vmem>>
    %dma_wait3A_31 = tpu.memref_squeeze %dma_wait3A_30 : memref<1x256xi32, #tpu.memory_space<vmem>> -> memref<256xi32, #tpu.memory_space<vmem>>
    %dma_wait3A_32 = arith.constant 0 : i32
    %dma_wait3A_33 = arith.constant 0 : i32
    %dma_wait3A_34 = tpu.memref_slice %arg3[%dma_wait3A_32, %dma_wait3A_33] : memref<2000000x64xf32, #tpu.memory_space<hbm>> -> memref<2000000x64xf32, #tpu.memory_space<hbm>>
    tpu.wait_indirect_dma semaphore(%arg8 : memref<!tpu.dma_semaphore, #tpu.memory_space<semaphore_mem>>) src(%dma_wait3A_34 : memref<2000000x64xf32, #tpu.memory_space<hbm>>) dst(%dma_wait3A_28 : memref<256x64xf32, #tpu.memory_space<vmem>>)
    %add3A_35 = arith.constant 0 : i32
    %add3A_36 = arith.addi %mul3A_2, %add3A_35 : i32
    %mul3A_37 = arith.constant 32 : i32
    %mul3A_38 = arith.muli %add3A_36, %mul3A_37 : i32
    %mul3A_39 = arith.constant 2 : i32
    %mul3A_40 = arith.muli %mul3A_38, %mul3A_39 : i32
    %dma_start3A_41 = arith.constant 0 : i32
    %dma_start3A_42 = arith.constant 0 : i32
    %dma_start3A_43 = arith.constant 0 : i32
    %dma_start3A_44 = tpu.memref_slice %arg7[%dma_start3A_41, %dma_start3A_42, %dma_start3A_43] : memref<2x256x64xf32, #tpu.memory_space<vmem>> -> memref<1x256x64xf32, #tpu.memory_space<vmem>>
    %dma_start3A_45 = tpu.memref_squeeze %dma_start3A_44 : memref<1x256x64xf32, #tpu.memory_space<vmem>> -> memref<256x64xf32, #tpu.memory_space<vmem>>
    %dma_start3A_46 = arith.constant 0 : i32
    %dma_start3A_47 = tpu.memref_slice %arg4[%mul3A_40, %dma_start3A_46] : memref<1048576x64xf32, #tpu.memory_space<hbm>> -> memref<256x64xf32, #tpu.memory_space<hbm>>
    %dma_start3A_48 = arith.constant 0 : i32
    %dma_start3A_49 = tpu.memref_slice %arg4[%mul3A_40, %dma_start3A_48] : memref<1048576x64xf32, #tpu.memory_space<hbm>> -> memref<256x64xf32, #tpu.memory_space<hbm>>
    %dma_start3A_50 = arith.constant 0 : i32
    %dma_start3A_51 = arith.constant 0 : i32
    %dma_start3A_52 = tpu.memref_slice %arg7[%dma_start3A_41, %dma_start3A_50, %dma_start3A_51] : memref<2x256x64xf32, #tpu.memory_space<vmem>> -> memref<1x256x64xf32, #tpu.memory_space<vmem>>
    %dma_start3A_53 = tpu.memref_squeeze %dma_start3A_52 : memref<1x256x64xf32, #tpu.memory_space<vmem>> -> memref<256x64xf32, #tpu.memory_space<vmem>>
    tpu.enqueue_dma source(%dma_start3A_53 : memref<256x64xf32, #tpu.memory_space<vmem>>) target(%dma_start3A_49 : memref<256x64xf32, #tpu.memory_space<hbm>>) target_semaphore(%arg10 : memref<!tpu.dma_semaphore, #tpu.memory_space<semaphore_mem>>)
    %dma_start3A_54 = arith.constant 1 : i32
    %dma_start3A_55 = arith.constant 1 : i32
    %dma_start3A_56 = arith.constant 0 : i32
    %dma_start3A_57 = arith.constant 0 : i32
    %dma_start3A_58 = tpu.memref_slice %arg7[%dma_start3A_55, %dma_start3A_56, %dma_start3A_57] : memref<2x256x64xf32, #tpu.memory_space<vmem>> -> memref<1x256x64xf32, #tpu.memory_space<vmem>>
    %dma_start3A_59 = tpu.memref_squeeze %dma_start3A_58 : memref<1x256x64xf32, #tpu.memory_space<vmem>> -> memref<256x64xf32, #tpu.memory_space<vmem>>
    %dma_start3A_60 = arith.constant 0 : i32
    %dma_start3A_61 = tpu.memref_slice %arg6[%dma_start3A_54, %dma_start3A_60] : memref<128x256xi32, #tpu.memory_space<vmem>> -> memref<1x256xi32, #tpu.memory_space<vmem>>
    %dma_start3A_62 = tpu.memref_squeeze %dma_start3A_61 : memref<1x256xi32, #tpu.memory_space<vmem>> -> memref<256xi32, #tpu.memory_space<vmem>>
    %dma_start3A_63 = arith.constant 0 : i32
    %dma_start3A_64 = arith.constant 0 : i32
    %dma_start3A_65 = tpu.memref_slice %arg3[%dma_start3A_63, %dma_start3A_64] : memref<2000000x64xf32, #tpu.memory_space<hbm>> -> memref<2000000x64xf32, #tpu.memory_space<hbm>>
    tpu.enqueue_indirect_dma source(%dma_start3A_65 : memref<2000000x64xf32, #tpu.memory_space<hbm>>) target(%dma_start3A_59 : memref<256x64xf32, #tpu.memory_space<vmem>>) offsets(%dma_start3A_62 : memref<256xi32, #tpu.memory_space<vmem>>) semaphore(%arg9 : memref<!tpu.dma_semaphore, #tpu.memory_space<semaphore_mem>>)
    %scan3A_66 = arith.constant 0 : i32
    %scan3A_67 = arith.constant 63 : i32
    %scan3A_68 = arith.addi %scan3A_66, %scan3A_67 : i32
    %scan3A_69 = arith.constant 1 : i32
    scf.for %scan3A_136 = %scan3A_66 to %scan3A_68 step %scan3A_69  : i32 {
      %mul3A_137 = arith.constant 2 : i32
      %mul3A_138 = arith.muli %mul3A_137, %scan3A_136 : i32
      %add3A_139 = arith.constant 1 : i32
      %add3A_140 = arith.addi %mul3A_138, %add3A_139 : i32
      %dma_wait3A_141 = arith.constant 0 : i32
      %dma_wait3A_142 = arith.constant 1 : i32
      %dma_wait3A_143 = arith.constant 0 : i32
      %dma_wait3A_144 = arith.constant 0 : i32
      %dma_wait3A_145 = tpu.memref_slice %arg7[%dma_wait3A_142, %dma_wait3A_143, %dma_wait3A_144] : memref<2x256x64xf32, #tpu.memory_space<vmem>> -> memref<1x256x64xf32, #tpu.memory_space<vmem>>
      %dma_wait3A_146 = tpu.memref_squeeze %dma_wait3A_145 : memref<1x256x64xf32, #tpu.memory_space<vmem>> -> memref<256x64xf32, #tpu.memory_space<vmem>>
      %dma_wait3A_147 = arith.constant 0 : i32
      %dma_wait3A_148 = tpu.memref_slice %arg6[%dma_wait3A_141, %dma_wait3A_147] : memref<128x256xi32, #tpu.memory_space<vmem>> -> memref<1x256xi32, #tpu.memory_space<vmem>>
      %dma_wait3A_149 = tpu.memref_squeeze %dma_wait3A_148 : memref<1x256xi32, #tpu.memory_space<vmem>> -> memref<256xi32, #tpu.memory_space<vmem>>
      %dma_wait3A_150 = arith.constant 0 : i32
      %dma_wait3A_151 = arith.constant 0 : i32
      %dma_wait3A_152 = tpu.memref_slice %arg3[%dma_wait3A_150, %dma_wait3A_151] : memref<2000000x64xf32, #tpu.memory_space<hbm>> -> memref<2000000x64xf32, #tpu.memory_space<hbm>>
      tpu.wait_indirect_dma semaphore(%arg9 : memref<!tpu.dma_semaphore, #tpu.memory_space<semaphore_mem>>) src(%dma_wait3A_152 : memref<2000000x64xf32, #tpu.memory_space<hbm>>) dst(%dma_wait3A_146 : memref<256x64xf32, #tpu.memory_space<vmem>>)
      %mul3A_153 = arith.constant 4 : i32
      %mul3A_154 = arith.muli %add3A_140, %mul3A_153 : i32
      %add3A_155 = arith.addi %mul3A_2, %mul3A_154 : i32
      %mul3A_156 = arith.constant 32 : i32
      %mul3A_157 = arith.muli %add3A_155, %mul3A_156 : i32
      %mul3A_158 = arith.constant 2 : i32
      %mul3A_159 = arith.muli %mul3A_157, %mul3A_158 : i32
      %dma_start3A_160 = arith.constant 1 : i32
      %dma_start3A_161 = arith.constant 0 : i32
      %dma_start3A_162 = arith.constant 0 : i32
      %dma_start3A_163 = tpu.memref_slice %arg7[%dma_start3A_160, %dma_start3A_161, %dma_start3A_162] : memref<2x256x64xf32, #tpu.memory_space<vmem>> -> memref<1x256x64xf32, #tpu.memory_space<vmem>>
      %dma_start3A_164 = tpu.memref_squeeze %dma_start3A_163 : memref<1x256x64xf32, #tpu.memory_space<vmem>> -> memref<256x64xf32, #tpu.memory_space<vmem>>
      %dma_start3A_165 = arith.constant 0 : i32
      %dma_start3A_166 = tpu.memref_slice %arg4[%mul3A_159, %dma_start3A_165] : memref<1048576x64xf32, #tpu.memory_space<hbm>> -> memref<256x64xf32, #tpu.memory_space<hbm>>
      %dma_start3A_167 = arith.constant 0 : i32
      %dma_start3A_168 = tpu.memref_slice %arg4[%mul3A_159, %dma_start3A_167] : memref<1048576x64xf32, #tpu.memory_space<hbm>> -> memref<256x64xf32, #tpu.memory_space<hbm>>
      %dma_start3A_169 = arith.constant 0 : i32
      %dma_start3A_170 = arith.constant 0 : i32
      %dma_start3A_171 = tpu.memref_slice %arg7[%dma_start3A_160, %dma_start3A_169, %dma_start3A_170] : memref<2x256x64xf32, #tpu.memory_space<vmem>> -> memref<1x256x64xf32, #tpu.memory_space<vmem>>
      %dma_start3A_172 = tpu.memref_squeeze %dma_start3A_171 : memref<1x256x64xf32, #tpu.memory_space<vmem>> -> memref<256x64xf32, #tpu.memory_space<vmem>>
      tpu.enqueue_dma source(%dma_start3A_172 : memref<256x64xf32, #tpu.memory_space<vmem>>) target(%dma_start3A_168 : memref<256x64xf32, #tpu.memory_space<hbm>>) target_semaphore(%arg11 : memref<!tpu.dma_semaphore, #tpu.memory_space<semaphore_mem>>)
      %mul3A_173 = arith.constant 32 : i32
      %mul3A_174 = arith.muli %mul3A_2, %mul3A_173 : i32
      %mul3A_175 = arith.constant 2 : i32
      %mul3A_176 = arith.muli %mul3A_174, %mul3A_175 : i32
      %dma_wait3A_177 = arith.constant 0 : i32
      %dma_wait3A_178 = arith.constant 0 : i32
      %dma_wait3A_179 = arith.constant 0 : i32
      %dma_wait3A_180 = tpu.memref_slice %arg7[%dma_wait3A_177, %dma_wait3A_178, %dma_wait3A_179] : memref<2x256x64xf32, #tpu.memory_space<vmem>> -> memref<1x256x64xf32, #tpu.memory_space<vmem>>
      %dma_wait3A_181 = tpu.memref_squeeze %dma_wait3A_180 : memref<1x256x64xf32, #tpu.memory_space<vmem>> -> memref<256x64xf32, #tpu.memory_space<vmem>>
      %dma_wait3A_182 = arith.constant 0 : i32
      %dma_wait3A_183 = tpu.memref_slice %arg4[%mul3A_176, %dma_wait3A_182] : memref<1048576x64xf32, #tpu.memory_space<hbm>> -> memref<256x64xf32, #tpu.memory_space<hbm>>
      %dma_wait3A_184 = arith.constant 0 : i32
      %dma_wait3A_185 = tpu.memref_slice %arg4[%mul3A_176, %dma_wait3A_184] : memref<1048576x64xf32, #tpu.memory_space<hbm>> -> memref<256x64xf32, #tpu.memory_space<hbm>>
      %dma_wait3A_186 = arith.constant 0 : i32
      %dma_wait3A_187 = arith.constant 0 : i32
      %dma_wait3A_188 = tpu.memref_slice %arg7[%dma_wait3A_177, %dma_wait3A_186, %dma_wait3A_187] : memref<2x256x64xf32, #tpu.memory_space<vmem>> -> memref<1x256x64xf32, #tpu.memory_space<vmem>>
      %dma_wait3A_189 = tpu.memref_squeeze %dma_wait3A_188 : memref<1x256x64xf32, #tpu.memory_space<vmem>> -> memref<256x64xf32, #tpu.memory_space<vmem>>
      tpu.wait_dma2 semaphore(%arg10 : memref<!tpu.dma_semaphore, #tpu.memory_space<semaphore_mem>>) src(%dma_wait3A_189 : memref<256x64xf32, #tpu.memory_space<vmem>>) dst(%dma_wait3A_185 : memref<256x64xf32, #tpu.memory_space<hbm>>)
      %add3A_190 = arith.constant 1 : i32
      %add3A_191 = arith.addi %add3A_140, %add3A_190 : i32
      %dma_start3A_192 = arith.constant 0 : i32
      %dma_start3A_193 = arith.constant 0 : i32
      %dma_start3A_194 = arith.constant 0 : i32
      %dma_start3A_195 = tpu.memref_slice %arg7[%dma_start3A_192, %dma_start3A_193, %dma_start3A_194] : memref<2x256x64xf32, #tpu.memory_space<vmem>> -> memref<1x256x64xf32, #tpu.memory_space<vmem>>
      %dma_start3A_196 = tpu.memref_squeeze %dma_start3A_195 : memref<1x256x64xf32, #tpu.memory_space<vmem>> -> memref<256x64xf32, #tpu.memory_space<vmem>>
      %dma_start3A_197 = arith.constant 0 : i32
      %dma_start3A_198 = tpu.memref_slice %arg6[%add3A_191, %dma_start3A_197] : memref<128x256xi32, #tpu.memory_space<vmem>> -> memref<1x256xi32, #tpu.memory_space<vmem>>
      %dma_start3A_199 = tpu.memref_squeeze %dma_start3A_198 : memref<1x256xi32, #tpu.memory_space<vmem>> -> memref<256xi32, #tpu.memory_space<vmem>>
      %dma_start3A_200 = arith.constant 0 : i32
      %dma_start3A_201 = arith.constant 0 : i32
      %dma_start3A_202 = tpu.memref_slice %arg3[%dma_start3A_200, %dma_start3A_201] : memref<2000000x64xf32, #tpu.memory_space<hbm>> -> memref<2000000x64xf32, #tpu.memory_space<hbm>>
      tpu.enqueue_indirect_dma source(%dma_start3A_202 : memref<2000000x64xf32, #tpu.memory_space<hbm>>) target(%dma_start3A_196 : memref<256x64xf32, #tpu.memory_space<vmem>>) offsets(%dma_start3A_199 : memref<256xi32, #tpu.memory_space<vmem>>) semaphore(%arg8 : memref<!tpu.dma_semaphore, #tpu.memory_space<semaphore_mem>>)
      %dma_wait3A_203 = arith.constant 0 : i32
      %dma_wait3A_204 = arith.constant 0 : i32
      %dma_wait3A_205 = arith.constant 0 : i32
      %dma_wait3A_206 = arith.constant 0 : i32
      %dma_wait3A_207 = tpu.memref_slice %arg7[%dma_wait3A_204, %dma_wait3A_205, %dma_wait3A_206] : memref<2x256x64xf32, #tpu.memory_space<vmem>> -> memref<1x256x64xf32, #tpu.memory_space<vmem>>
      %dma_wait3A_208 = tpu.memref_squeeze %dma_wait3A_207 : memref<1x256x64xf32, #tpu.memory_space<vmem>> -> memref<256x64xf32, #tpu.memory_space<vmem>>
      %dma_wait3A_209 = arith.constant 0 : i32
      %dma_wait3A_210 = tpu.memref_slice %arg6[%dma_wait3A_203, %dma_wait3A_209] : memref<128x256xi32, #tpu.memory_space<vmem>> -> memref<1x256xi32, #tpu.memory_space<vmem>>
      %dma_wait3A_211 = tpu.memref_squeeze %dma_wait3A_210 : memref<1x256xi32, #tpu.memory_space<vmem>> -> memref<256xi32, #tpu.memory_space<vmem>>
      %dma_wait3A_212 = arith.constant 0 : i32
      %dma_wait3A_213 = arith.constant 0 : i32
      %dma_wait3A_214 = tpu.memref_slice %arg3[%dma_wait3A_212, %dma_wait3A_213] : memref<2000000x64xf32, #tpu.memory_space<hbm>> -> memref<2000000x64xf32, #tpu.memory_space<hbm>>
      tpu.wait_indirect_dma semaphore(%arg8 : memref<!tpu.dma_semaphore, #tpu.memory_space<semaphore_mem>>) src(%dma_wait3A_214 : memref<2000000x64xf32, #tpu.memory_space<hbm>>) dst(%dma_wait3A_208 : memref<256x64xf32, #tpu.memory_space<vmem>>)
      %add3A_215 = arith.constant 1 : i32
      %add3A_216 = arith.addi %add3A_140, %add3A_215 : i32
      %mul3A_217 = arith.constant 4 : i32
      %mul3A_218 = arith.muli %add3A_216, %mul3A_217 : i32
      %add3A_219 = arith.addi %mul3A_2, %mul3A_218 : i32
      %mul3A_220 = arith.constant 32 : i32
      %mul3A_221 = arith.muli %add3A_219, %mul3A_220 : i32
      %mul3A_222 = arith.constant 2 : i32
      %mul3A_223 = arith.muli %mul3A_221, %mul3A_222 : i32
      %dma_start3A_224 = arith.constant 0 : i32
      %dma_start3A_225 = arith.constant 0 : i32
      %dma_start3A_226 = arith.constant 0 : i32
      %dma_start3A_227 = tpu.memref_slice %arg7[%dma_start3A_224, %dma_start3A_225, %dma_start3A_226] : memref<2x256x64xf32, #tpu.memory_space<vmem>> -> memref<1x256x64xf32, #tpu.memory_space<vmem>>
      %dma_start3A_228 = tpu.memref_squeeze %dma_start3A_227 : memref<1x256x64xf32, #tpu.memory_space<vmem>> -> memref<256x64xf32, #tpu.memory_space<vmem>>
      %dma_start3A_229 = arith.constant 0 : i32
      %dma_start3A_230 = tpu.memref_slice %arg4[%mul3A_223, %dma_start3A_229] : memref<1048576x64xf32, #tpu.memory_space<hbm>> -> memref<256x64xf32, #tpu.memory_space<hbm>>
      %dma_start3A_231 = arith.constant 0 : i32
      %dma_start3A_232 = tpu.memref_slice %arg4[%mul3A_223, %dma_start3A_231] : memref<1048576x64xf32, #tpu.memory_space<hbm>> -> memref<256x64xf32, #tpu.memory_space<hbm>>
      %dma_start3A_233 = arith.constant 0 : i32
      %dma_start3A_234 = arith.constant 0 : i32
      %dma_start3A_235 = tpu.memref_slice %arg7[%dma_start3A_224, %dma_start3A_233, %dma_start3A_234] : memref<2x256x64xf32, #tpu.memory_space<vmem>> -> memref<1x256x64xf32, #tpu.memory_space<vmem>>
      %dma_start3A_236 = tpu.memref_squeeze %dma_start3A_235 : memref<1x256x64xf32, #tpu.memory_space<vmem>> -> memref<256x64xf32, #tpu.memory_space<vmem>>
      tpu.enqueue_dma source(%dma_start3A_236 : memref<256x64xf32, #tpu.memory_space<vmem>>) target(%dma_start3A_232 : memref<256x64xf32, #tpu.memory_space<hbm>>) target_semaphore(%arg10 : memref<!tpu.dma_semaphore, #tpu.memory_space<semaphore_mem>>)
      %mul3A_237 = arith.constant 32 : i32
      %mul3A_238 = arith.muli %mul3A_2, %mul3A_237 : i32
      %mul3A_239 = arith.constant 2 : i32
      %mul3A_240 = arith.muli %mul3A_238, %mul3A_239 : i32
      %dma_wait3A_241 = arith.constant 1 : i32
      %dma_wait3A_242 = arith.constant 0 : i32
      %dma_wait3A_243 = arith.constant 0 : i32
      %dma_wait3A_244 = tpu.memref_slice %arg7[%dma_wait3A_241, %dma_wait3A_242, %dma_wait3A_243] : memref<2x256x64xf32, #tpu.memory_space<vmem>> -> memref<1x256x64xf32, #tpu.memory_space<vmem>>
      %dma_wait3A_245 = tpu.memref_squeeze %dma_wait3A_244 : memref<1x256x64xf32, #tpu.memory_space<vmem>> -> memref<256x64xf32, #tpu.memory_space<vmem>>
      %dma_wait3A_246 = arith.constant 0 : i32
      %dma_wait3A_247 = tpu.memref_slice %arg4[%mul3A_240, %dma_wait3A_246] : memref<1048576x64xf32, #tpu.memory_space<hbm>> -> memref<256x64xf32, #tpu.memory_space<hbm>>
      %dma_wait3A_248 = arith.constant 0 : i32
      %dma_wait3A_249 = tpu.memref_slice %arg4[%mul3A_240, %dma_wait3A_248] : memref<1048576x64xf32, #tpu.memory_space<hbm>> -> memref<256x64xf32, #tpu.memory_space<hbm>>
      %dma_wait3A_250 = arith.constant 0 : i32
      %dma_wait3A_251 = arith.constant 0 : i32
      %dma_wait3A_252 = tpu.memref_slice %arg7[%dma_wait3A_241, %dma_wait3A_250, %dma_wait3A_251] : memref<2x256x64xf32, #tpu.memory_space<vmem>> -> memref<1x256x64xf32, #tpu.memory_space<vmem>>
      %dma_wait3A_253 = tpu.memref_squeeze %dma_wait3A_252 : memref<1x256x64xf32, #tpu.memory_space<vmem>> -> memref<256x64xf32, #tpu.memory_space<vmem>>
      tpu.wait_dma2 semaphore(%arg11 : memref<!tpu.dma_semaphore, #tpu.memory_space<semaphore_mem>>) src(%dma_wait3A_253 : memref<256x64xf32, #tpu.memory_space<vmem>>) dst(%dma_wait3A_249 : memref<256x64xf32, #tpu.memory_space<hbm>>)
      %add3A_254 = arith.constant 2 : i32
      %add3A_255 = arith.addi %add3A_140, %add3A_254 : i32
      %dma_start3A_256 = arith.constant 1 : i32
      %dma_start3A_257 = arith.constant 0 : i32
      %dma_start3A_258 = arith.constant 0 : i32
      %dma_start3A_259 = tpu.memref_slice %arg7[%dma_start3A_256, %dma_start3A_257, %dma_start3A_258] : memref<2x256x64xf32, #tpu.memory_space<vmem>> -> memref<1x256x64xf32, #tpu.memory_space<vmem>>
      %dma_start3A_260 = tpu.memref_squeeze %dma_start3A_259 : memref<1x256x64xf32, #tpu.memory_space<vmem>> -> memref<256x64xf32, #tpu.memory_space<vmem>>
      %dma_start3A_261 = arith.constant 0 : i32
      %dma_start3A_262 = tpu.memref_slice %arg6[%add3A_255, %dma_start3A_261] : memref<128x256xi32, #tpu.memory_space<vmem>> -> memref<1x256xi32, #tpu.memory_space<vmem>>
      %dma_start3A_263 = tpu.memref_squeeze %dma_start3A_262 : memref<1x256xi32, #tpu.memory_space<vmem>> -> memref<256xi32, #tpu.memory_space<vmem>>
      %dma_start3A_264 = arith.constant 0 : i32
      %dma_start3A_265 = arith.constant 0 : i32
      %dma_start3A_266 = tpu.memref_slice %arg3[%dma_start3A_264, %dma_start3A_265] : memref<2000000x64xf32, #tpu.memory_space<hbm>> -> memref<2000000x64xf32, #tpu.memory_space<hbm>>
      tpu.enqueue_indirect_dma source(%dma_start3A_266 : memref<2000000x64xf32, #tpu.memory_space<hbm>>) target(%dma_start3A_260 : memref<256x64xf32, #tpu.memory_space<vmem>>) offsets(%dma_start3A_263 : memref<256xi32, #tpu.memory_space<vmem>>) semaphore(%arg9 : memref<!tpu.dma_semaphore, #tpu.memory_space<semaphore_mem>>)
    }
    %scan3A_70 = arith.constant 63 : i32
    %dma_wait3A_71 = arith.constant 0 : i32
    %dma_wait3A_72 = arith.constant 1 : i32
    %dma_wait3A_73 = arith.constant 0 : i32
    %dma_wait3A_74 = arith.constant 0 : i32
    %dma_wait3A_75 = tpu.memref_slice %arg7[%dma_wait3A_72, %dma_wait3A_73, %dma_wait3A_74] : memref<2x256x64xf32, #tpu.memory_space<vmem>> -> memref<1x256x64xf32, #tpu.memory_space<vmem>>
    %dma_wait3A_76 = tpu.memref_squeeze %dma_wait3A_75 : memref<1x256x64xf32, #tpu.memory_space<vmem>> -> memref<256x64xf32, #tpu.memory_space<vmem>>
    %dma_wait3A_77 = arith.constant 0 : i32
    %dma_wait3A_78 = tpu.memref_slice %arg6[%dma_wait3A_71, %dma_wait3A_77] : memref<128x256xi32, #tpu.memory_space<vmem>> -> memref<1x256xi32, #tpu.memory_space<vmem>>
    %dma_wait3A_79 = tpu.memref_squeeze %dma_wait3A_78 : memref<1x256xi32, #tpu.memory_space<vmem>> -> memref<256xi32, #tpu.memory_space<vmem>>
    %dma_wait3A_80 = arith.constant 0 : i32
    %dma_wait3A_81 = arith.constant 0 : i32
    %dma_wait3A_82 = tpu.memref_slice %arg3[%dma_wait3A_80, %dma_wait3A_81] : memref<2000000x64xf32, #tpu.memory_space<hbm>> -> memref<2000000x64xf32, #tpu.memory_space<hbm>>
    tpu.wait_indirect_dma semaphore(%arg9 : memref<!tpu.dma_semaphore, #tpu.memory_space<semaphore_mem>>) src(%dma_wait3A_82 : memref<2000000x64xf32, #tpu.memory_space<hbm>>) dst(%dma_wait3A_76 : memref<256x64xf32, #tpu.memory_space<vmem>>)
    %add3A_83 = arith.constant 508 : i32
    %add3A_84 = arith.addi %mul3A_2, %add3A_83 : i32
    %mul3A_85 = arith.constant 32 : i32
    %mul3A_86 = arith.muli %add3A_84, %mul3A_85 : i32
    %mul3A_87 = arith.constant 2 : i32
    %mul3A_88 = arith.muli %mul3A_86, %mul3A_87 : i32
    %dma_start3A_89 = arith.constant 1 : i32
    %dma_start3A_90 = arith.constant 0 : i32
    %dma_start3A_91 = arith.constant 0 : i32
    %dma_start3A_92 = tpu.memref_slice %arg7[%dma_start3A_89, %dma_start3A_90, %dma_start3A_91] : memref<2x256x64xf32, #tpu.memory_space<vmem>> -> memref<1x256x64xf32, #tpu.memory_space<vmem>>
    %dma_start3A_93 = tpu.memref_squeeze %dma_start3A_92 : memref<1x256x64xf32, #tpu.memory_space<vmem>> -> memref<256x64xf32, #tpu.memory_space<vmem>>
    %dma_start3A_94 = arith.constant 0 : i32
    %dma_start3A_95 = tpu.memref_slice %arg4[%mul3A_88, %dma_start3A_94] : memref<1048576x64xf32, #tpu.memory_space<hbm>> -> memref<256x64xf32, #tpu.memory_space<hbm>>
    %dma_start3A_96 = arith.constant 0 : i32
    %dma_start3A_97 = tpu.memref_slice %arg4[%mul3A_88, %dma_start3A_96] : memref<1048576x64xf32, #tpu.memory_space<hbm>> -> memref<256x64xf32, #tpu.memory_space<hbm>>
    %dma_start3A_98 = arith.constant 0 : i32
    %dma_start3A_99 = arith.constant 0 : i32
    %dma_start3A_100 = tpu.memref_slice %arg7[%dma_start3A_89, %dma_start3A_98, %dma_start3A_99] : memref<2x256x64xf32, #tpu.memory_space<vmem>> -> memref<1x256x64xf32, #tpu.memory_space<vmem>>
    %dma_start3A_101 = tpu.memref_squeeze %dma_start3A_100 : memref<1x256x64xf32, #tpu.memory_space<vmem>> -> memref<256x64xf32, #tpu.memory_space<vmem>>
    tpu.enqueue_dma source(%dma_start3A_101 : memref<256x64xf32, #tpu.memory_space<vmem>>) target(%dma_start3A_97 : memref<256x64xf32, #tpu.memory_space<hbm>>) target_semaphore(%arg11 : memref<!tpu.dma_semaphore, #tpu.memory_space<semaphore_mem>>)
    %mul3A_102 = arith.constant 32 : i32
    %mul3A_103 = arith.muli %mul3A_2, %mul3A_102 : i32
    %mul3A_104 = arith.constant 2 : i32
    %mul3A_105 = arith.muli %mul3A_103, %mul3A_104 : i32
    %dma_wait3A_106 = arith.constant 0 : i32
    %dma_wait3A_107 = arith.constant 0 : i32
    %dma_wait3A_108 = arith.constant 0 : i32
    %dma_wait3A_109 = tpu.memref_slice %arg7[%dma_wait3A_106, %dma_wait3A_107, %dma_wait3A_108] : memref<2x256x64xf32, #tpu.memory_space<vmem>> -> memref<1x256x64xf32, #tpu.memory_space<vmem>>
    %dma_wait3A_110 = tpu.memref_squeeze %dma_wait3A_109 : memref<1x256x64xf32, #tpu.memory_space<vmem>> -> memref<256x64xf32, #tpu.memory_space<vmem>>
    %dma_wait3A_111 = arith.constant 0 : i32
    %dma_wait3A_112 = tpu.memref_slice %arg4[%mul3A_105, %dma_wait3A_111] : memref<1048576x64xf32, #tpu.memory_space<hbm>> -> memref<256x64xf32, #tpu.memory_space<hbm>>
    %dma_wait3A_113 = arith.constant 0 : i32
    %dma_wait3A_114 = tpu.memref_slice %arg4[%mul3A_105, %dma_wait3A_113] : memref<1048576x64xf32, #tpu.memory_space<hbm>> -> memref<256x64xf32, #tpu.memory_space<hbm>>
    %dma_wait3A_115 = arith.constant 0 : i32
    %dma_wait3A_116 = arith.constant 0 : i32
    %dma_wait3A_117 = tpu.memref_slice %arg7[%dma_wait3A_106, %dma_wait3A_115, %dma_wait3A_116] : memref<2x256x64xf32, #tpu.memory_space<vmem>> -> memref<1x256x64xf32, #tpu.memory_space<vmem>>
    %dma_wait3A_118 = tpu.memref_squeeze %dma_wait3A_117 : memref<1x256x64xf32, #tpu.memory_space<vmem>> -> memref<256x64xf32, #tpu.memory_space<vmem>>
    tpu.wait_dma2 semaphore(%arg10 : memref<!tpu.dma_semaphore, #tpu.memory_space<semaphore_mem>>) src(%dma_wait3A_118 : memref<256x64xf32, #tpu.memory_space<vmem>>) dst(%dma_wait3A_114 : memref<256x64xf32, #tpu.memory_space<hbm>>)
    %mul3A_119 = arith.constant 32 : i32
    %mul3A_120 = arith.muli %mul3A_2, %mul3A_119 : i32
    %mul3A_121 = arith.constant 2 : i32
    %mul3A_122 = arith.muli %mul3A_120, %mul3A_121 : i32
    %dma_wait3A_123 = arith.constant 1 : i32
    %dma_wait3A_124 = arith.constant 0 : i32
    %dma_wait3A_125 = arith.constant 0 : i32
    %dma_wait3A_126 = tpu.memref_slice %arg7[%dma_wait3A_123, %dma_wait3A_124, %dma_wait3A_125] : memref<2x256x64xf32, #tpu.memory_space<vmem>> -> memref<1x256x64xf32, #tpu.memory_space<vmem>>
    %dma_wait3A_127 = tpu.memref_squeeze %dma_wait3A_126 : memref<1x256x64xf32, #tpu.memory_space<vmem>> -> memref<256x64xf32, #tpu.memory_space<vmem>>
    %dma_wait3A_128 = arith.constant 0 : i32
    %dma_wait3A_129 = tpu.memref_slice %arg4[%mul3A_122, %dma_wait3A_128] : memref<1048576x64xf32, #tpu.memory_space<hbm>> -> memref<256x64xf32, #tpu.memory_space<hbm>>
    %dma_wait3A_130 = arith.constant 0 : i32
    %dma_wait3A_131 = tpu.memref_slice %arg4[%mul3A_122, %dma_wait3A_130] : memref<1048576x64xf32, #tpu.memory_space<hbm>> -> memref<256x64xf32, #tpu.memory_space<hbm>>
    %dma_wait3A_132 = arith.constant 0 : i32
    %dma_wait3A_133 = arith.constant 0 : i32
    %dma_wait3A_134 = tpu.memref_slice %arg7[%dma_wait3A_123, %dma_wait3A_132, %dma_wait3A_133] : memref<2x256x64xf32, #tpu.memory_space<vmem>> -> memref<1x256x64xf32, #tpu.memory_space<vmem>>
    %dma_wait3A_135 = tpu.memref_squeeze %dma_wait3A_134 : memref<1x256x64xf32, #tpu.memory_space<vmem>> -> memref<256x64xf32, #tpu.memory_space<vmem>>
    tpu.wait_dma2 semaphore(%arg11 : memref<!tpu.dma_semaphore, #tpu.memory_space<semaphore_mem>>) src(%dma_wait3A_135 : memref<256x64xf32, #tpu.memory_space<vmem>>) dst(%dma_wait3A_131 : memref<256x64xf32, #tpu.memory_space<hbm>>)
    return
  }
}

</mosaic_0001>

<sc_bundles>
// kernel: kernel.3.cloned.1.call-start
scs
__scs_entry_jumppad:
0x0: {  	(pc) =	sbr.rel $0x88, $3  }
0x1: {  	(tag) =	ssettag $0x0;
	lr =	simm.s32 $0x1  }
0x2: {  	[smem:$0x3F9F] =	sst lr;
	_ =	strace $0xD0000000  }
0x3: {  	_ = 	snop  }
0x4: {  	_ = 	snop  }
0x5: {  	_ = 	snop  }
0x6: {  	_ = 	snop  }
0x7: {  	_ = 	snop  }
__scs_overlays_trampoline_lowered:
0x8: {  	[smem:$0x3FAE] =	sst s0  }
0x9: {  	[smem:$0x3FAF] =	sst s1  }
0xa: {  	[smem:$0x3FB0] =	sst s2  }
0xb: {  	[smem:$0x3FB1] =	sst s3  }
0xc: {  	[smem:$0x3FB2] =	sst s4  }
0xd: {  	[smem:$0x3FB3] =	sst s5  }
0xe: {  	[smem:$0x3FB4] =	sst s6  }
0xf: {  	[smem:$0x3FB5] =	sst s7  }
0x10: {  	[smem:$0x3FB6] =	sst s8  }
0x11: {  	[smem:$0x3FB7] =	sst s9;
	s0 =	simm.s32 @!p0 $0x0  }
0x12: {  	s1 =	sld [smem:$0x3F9D];
	s0 =	simm.s32 @p0 $0x1  }
0x13: {  	[smem:$0x3FB8] =	sst s0;
	s0 =	simm.s32 @!p1 $0x0  }
0x14: {  	s2 =	sld [smem:$0x3F9C];
	s0 =	simm.s32 @p1 $0x1  }
0x15: {  	[smem:$0x3FB9] =	sst s0;
	s0 =	simm.s32 @!p2 $0x0  }
0x16: {  	s3 =	sld [smem:$0x3FDB];
	s0 =	simm.s32 @p2 $0x1  }
0x17: {  	s4 =	simm.s32 $0x1BF5;
	[smem:$0x3FBB] =	sst s0  }
0x18: {  	s0 =	sld [smem:$0x3F9E];
	_ =	swait.ge [sflag:s4], $0x0  }
0x19: {  	s7 =	sld [smem:$0x3F9F]  }
0x1a: {  	s8 =	sadd.s32 $0xFFFFE003, lr  }
0x1b: {  	s9 =	sadd.s32 $0xFFFFFEF7, lr;
	s5 =	simm.s32 $0xFFFFFFFF;
	p2 =	slt.u32 s8, $0xFFFFF086  }
0x1c: {  	p1 =	slt.u32 s9, $0xF7A;
	s5 =	simm.s32 @!p2 $0x0  }
0x1d: {  	s5 =	simm.s32 @p1 $0x1;
	p0 =	seq.s32 s7, s2  }
0x1e: {  	s7 =	smul.u32 @!p0 $0xF7A, s2;
	p2 =	seq.s32 @!p0 s5, $0x0  }
0x1f: {  	s9 =	smul.u32 $0xF7A, s1;
	s8 =	simm.s32 @!p0 $0x1BF5;
	p2 =	por !p2, p0  }
0x20: {  	[sflag:s8] =	ssyncset.s32 @!p0 $0xFFFFF086;
	s6 =	sadd.s32 @!p0 s3, s7;
	s7 =	simm.s32 @!p0 $0x108  }
0x21: {  	s3 =	sadd.s32 s3, s9;
	s6 =	sadd.s32 @!p0 $0x88, s6;
	s7 =	simm.s32 @p2 $0x1082  }
0x22: {  	[simem:s7], [sflag:s8] =	dma.local @!p0 [hbm:s6], $0xF7A  }
0x23: {  	s9 =	sor.u32 $0xD0000000, s2;
	s6 =	simm.s32 $0x108;
	_ =	swait.ge @!p0 [sflag:s8], $0x0  }
0x24: {  	s3 =	sadd.s32 $0x88, s3;
	s6 =	simm.s32 @!p1 $0x1082;
	[sflag:s4] =	ssyncset.s32 $0xFFFFF086  }
0x25: {  	[simem:s6], [sflag:s4] =	dma.local [hbm:s3], $0xF7A  }
0x26: {  	[smem:$0x3F9F] =	sst s1;
	(tag) =	ssettag s2;
	_ =	strace s9  }
0x27: {  	s1 =	sld [smem:$0x3FAF]  }
0x28: {  	s2 =	sld [smem:$0x3FB0]  }
0x29: {  	s4 =	sld [smem:$0x3FB2]  }
0x2a: {  	p0 =	seq.s32 s5, $0x0;
	s5 =	sld [smem:$0x3FB3]  }
0x2b: {  	s6 =	sld [smem:$0x3FB4]  }
0x2c: {  	s7 =	sld [smem:$0x3FB5]  }
0x2d: {  	s3 =	simm.s32 $0x108;
	s8 =	sld [smem:$0x3FB6]  }
0x2e: {  	s3 =	simm.s32 @!p0 $0x1082;
	s9 =	sld [smem:$0x3FB7]  }
0x2f: {  	lr =	sadd.s32 s0, s3;
	s0 =	sld [smem:$0x3FAE]  }
0x30: {  	s3 =	sld [smem:$0x3FB1]  }
0x31: {  	[smem:$0x3FBA] =	sst s10  }
0x32: {  	s10 =	sld [smem:$0x3FB8];
	_ =	sdelay $0x3  }
0x33: {  	p0 =	seq.s32 s10, $0x1;
	s10 =	sld [smem:$0x3FBA];
	_ =	sdelay $0x3  }
0x34: {  	[smem:$0x3FBA] =	sst s10  }
0x35: {  	s10 =	sld [smem:$0x3FB9];
	_ =	sdelay $0x3  }
0x36: {  	p1 =	seq.s32 s10, $0x1;
	s10 =	sld [smem:$0x3FBA];
	_ =	sdelay $0x3  }
0x37: {  	[smem:$0x3FBA] =	sst s10  }
0x38: {  	s10 =	sld [smem:$0x3FBB]  }
0x39: {  	_ = 	snop;
	(pc) =	sbr.ind lr, $3  }
0x3a: {  	_ = 	snop  }
0x3b: {  	_ = 	snop  }
0x3c: {  	p2 =	seq.s32 s10, $0x1;
	s10 =	sld [smem:$0x3FBA]  }
0x3d: {  	_ =	shalt  }
0x3e: {  	_ =	shalt  }
0x3f: {  	_ =	shalt  }
0x40: {  	_ =	shalt  }
0x41: {  	_ =	shalt  }
0x42: {  	_ =	shalt  }
0x43: {  	_ =	shalt  }
0x44: {  	_ =	shalt  }
0x45: {  	_ =	shalt  }
0x46: {  	_ =	shalt  }
0x47: {  	_ =	shalt  }
0x48: {  	_ =	shalt  }
0x49: {  	_ =	shalt  }
0x4a: {  	_ =	shalt  }
0x4b: {  	_ =	shalt  }
0x4c: {  	_ =	shalt  }
0x4d: {  	_ =	shalt  }
0x4e: {  	_ =	shalt  }
0x4f: {  	_ =	shalt  }
0x50: {  	_ =	shalt  }
0x51: {  	_ =	shalt  }
0x52: {  	_ =	shalt  }
0x53: {  	_ =	shalt  }
0x54: {  	_ =	shalt  }
0x55: {  	_ =	shalt  }
0x56: {  	_ =	shalt  }
0x57: {  	_ =	shalt  }
0x58: {  	_ =	shalt  }
0x59: {  	_ =	shalt  }
0x5a: {  	_ =	shalt  }
0x5b: {  	_ =	shalt  }
0x5c: {  	_ =	shalt  }
0x5d: {  	_ =	shalt  }
0x5e: {  	_ =	shalt  }
0x5f: {  	_ =	shalt  }
0x60: {  	_ =	shalt  }
0x61: {  	_ =	shalt  }
0x62: {  	_ =	shalt  }
0x63: {  	_ =	shalt  }
0x64: {  	_ =	shalt  }
0x65: {  	_ =	shalt  }
0x66: {  	_ =	shalt  }
0x67: {  	_ =	shalt  }
0x68: {  	_ =	shalt  }
0x69: {  	_ =	shalt  }
0x6a: {  	_ =	shalt  }
0x6b: {  	_ =	shalt  }
0x6c: {  	_ =	shalt  }
0x6d: {  	_ =	shalt  }
0x6e: {  	_ =	shalt  }
0x6f: {  	_ =	shalt  }
0x70: {  	_ =	shalt  }
0x71: {  	_ =	shalt  }
0x72: {  	_ =	shalt  }
0x73: {  	_ =	shalt  }
0x74: {  	_ =	shalt  }
0x75: {  	_ =	shalt  }
0x76: {  	_ =	shalt  }
0x77: {  	_ =	shalt  }
0x78: {  	_ =	shalt  }
0x79: {  	_ =	shalt  }
0x7a: {  	_ =	shalt  }
0x7b: {  	_ =	shalt  }
0x7c: {  	_ =	shalt  }
0x7d: {  	_ =	shalt  }
0x7e: {  	_ =	shalt  }
0x7f: {  	_ =	shalt  }
0x80: {  	_ =	shalt  }
0x81: {  	_ =	shalt  }
0x82: {  	_ =	shalt  }
0x83: {  	_ =	shalt  }
0x84: {  	_ =	shalt  }
0x85: {  	_ =	shalt  }
0x86: {  	_ =	shalt  }
0x87: {  	_ =	shalt  }
.Lfunc_end0:
.L_simem_size_0:
called_computation.1_lowered:
.L_overlay_start_0:
0x88: {  	s2 =	sld [smem:$0x3FD9]  }
0x89: {  	s3 =	sld [smem:$0x3FFE];
	_ =	sdelay $0x1  }
0x8a: {  	s1 =	srdreg.scid  }
0x8b: {  	s0 =	sand.u32 $0x1, s1  }
0x8c: {  	s17 =	sshll.u32 s0, $0xA;
	s2 =	sadd.s32 s3, s2  }
0x8d: {  	s2 =	sadd.s32 s2, s17  }
0x8e: {  	[smem:$0x3FC6] =	sst s2  }
0x8f: {  	_ = 	snop  }
0x90: {  	s2 =	sld [smem:$0x3FD0];
	(tm) =	ssettm $0x1  }
0x91: {  	s18 =	sld [smem:$0x3FFB];
	_ =	sdelay $0x3  }
0x92: {  	_ =	strace s18  }
0x93: {  	s3 =	sld [smem:$0x3FFC];
	_ =	sdelay $0x3  }
0x94: {  	_ =	strace s3  }
0x95: {  	s3 =	sld [smem:$0x3FFD];
	_ =	sdelay $0x3  }
0x96: {  	_ =	strace s3  }
0x97: {  	_ =	strace $0x8FFFFFFF  }
0x98: {  	s19 =	sld [smem:$0x3FDB];
	_ =	sdelay $0x1  }
0x99: {  	s4 =	simm.s32 $_scs_section_size  }
0x9a: {  	s5 =	simm.s32 $_size__tile_overlayer_lowered;
	s6 =	simm.s32 $_tile_overlayer_lowered  }
0x9b: {  	s22 =	simm.s32 $0x1BFF;
	s21 =	sshll.u32 s6, $0x1;
	s3 =	sadd.s32 s4, s19  }
0x9c: {  	s7 =	simm.s32 $0x0;
	s20 =	sshll.u32 s5, $0x1;
	s5 =	sadd.s32 s21, s3  }
0x9d: {  	[timem:s7], [sflag:s22] =	dma.local [hbm:s5], s20  }
0x9e: {  	_ =	swait.ge [sflag:s22], s20  }
0x9f: {  	s4 =	ssub.s32 $0x0, s20;
	[sflag:s22] =	ssyncset.done $0x0  }
0xa0: {  	[sflag:s22] =	ssyncadd.s32 s4;
	_ =	sdelay $0x1  }
0xa1: {  	s23 =	simm.s32 $0x1B8B  }
0xa2: {  	_ =	swait.ge [sflag:s23], $0x1  }
0xa3: {  	[sflag:s23] =	ssyncset.done $0x0  }
0xa4: {  	s25 =	simm.s32 $0x1B8E;
	s24 =	sld [smem:$0x3FFE];
	[sflag:s23] =	ssyncadd.s32 $0xFFFFFFFF  }
0xa5: {  	s26 =	simm.s32 $execute0_lowered;
	[smem:$0x3FD2] =	sst s25  }
0xa6: {  	s5 =	sshll.u32 s26, $0x1;
	_ =	strace $0x80000046;
	[dreg:$0x1] =	wrdreg $0xFFFFFFFF  }
0xa7: {  	s28 =	simm.s32 $_size_execute0_lowered;
	s3 =	sadd.s32 s3, s5;
	[dreg:$0x0] =	wrdreg $0x0  }
0xa8: {  	s5 =	sshll.u32 s28, $0x1;
	[dreg:$0x2] =	wrdreg s3  }
0xa9: {  	[dreg:$0x3] =	wrdreg s5  }
0xaa: {  	[dreg:$0x4] =	wrdreg $0xC0  }
0xab: {  	_ =	task [dreg:s7], $0x5FFFF  }
0xac: {  	[dreg:$0x1] =	wrdreg $0xFFFFFFFF  }
0xad: {  	[dreg:$0x0] =	wrdreg $0x60  }
0xae: {  	[dreg:$0x2] =	wrdreg s2  }
0xaf: {  	[dreg:$0x3] =	wrdreg s24  }
0xb0: {  	[dreg:$0x4] =	wrdreg $0x9  }
0xb1: {  	_ =	task.clear_ibuf [dreg:s7], $0x5FFFF;
	_ =	strace $0x90000046  }
0xb2: {  	s29 =	simm.s32 $0x9;
	_ =	strace $0x80000048  }
0xb3: {  	_ =	swait.ge [sflag:s29], $0x1  }
0xb4: {  	[sflag:s29] =	ssyncadd.s32 $0xFFFFFFFF  }
0xb5: {  	_ =	strace $0x90000048  }
0xb6: {  	_ =	sfence  }
0xb7: {  	s30 =	sld [smem:$0x0];
	_ =	sdelay $0x2  }
0xb8: {  	s31 =	sshll.u32 s1, $0xD;
	s1 =	sshrl.u32 s1, $0x2  }
0xb9: {  	s3 =	sand.u32 $0x4000, s31;
	s1 =	sadd.s32 s1, s30  }
0xba: {  	s0 =	sor.u32 s3, s0;
	s1 =	sshll.u32 s1, $0x11  }
0xbb: {  	s0 =	sor.u32 s1, s0  }
0xbc: {  	s0 =	sadd.s32 $0x8F2B, s0  }
0xbd: {  	[sflag:s0] =	ssyncadd.remote.s32 $0x1  }
0xbe: {  	_ =	sfence.sel $0xFFFF  }
0xbf: {  	[dreg:$0x0] =	wrdreg $0xFFFFFFFF;
	(pc) =	sbr.abs _section_cstart, $3  }
0xc0: {  	[dreg:$0x1] =	wrdreg $0xFFFFFFFF  }
0xc1: {  	_ =	task.clear_ibuf [dreg:s7], $0x2FFFF;
	_ =	strace $0x9FFFFFFF  }
0xc2: {  	(tm) =	ssettm $0x7FFFFFFF  }
0xc3: {  	_ =	shalt  }
tec
execute0_lowered:
.L_overlay_start_1:
0x0: {  	(tag) =	ssettag $0x1  }
0x1: {  	s4 =	rddreg [dreg:$0x0]  }
0x2: {  	s5 =	rddreg [dreg:$0x1]  }
0x3: {  	s0 =	rddreg [dreg:$0x2];
	s2 =	simm.s32 $0x0;
	s3 =	srdreg.scid  }
0x4: {  	s1 =	stileid.u32;
	s11 =	simm.s32 $0x100;
	s12 =	simm.s32 $0xC000  }
0x5: {  	s13 =	simm.s32 $0x1;
	s14 =	simm.s32 $0x4100;
	s15 =	simm.s32 $0x10000  }
0x6: {  	s16 =	simm.s32 $0x2;
	s17 =	simm.s32 $0x3;
	s18 =	simm.s32 $0x4  }
0x7: {  	s19 =	simm.s32 $0x0;
	[smem:$0x7FF] =	sst s2;
	s6 =	sand.u32 $0x1, s3  }
0x8: {  	s8 =	sshll.u32 s1, $0x1;
	s3 =	sadd.s32 $0xF42E00, s5;
	s10 =	sadd.s32 $0xA00, s5  }
0x9: {  	s29 =	sshll.u32 s1, $0x13;
	_ =	strace $0x80000047;
	s7 =	ssub.s32 $0x2, s6  }
0xa: {  	s8 =	sor.u32 s6, s8;
	s30 =	sadd.s32 s29, s10;
	s31 =	sshll.u32 s6, $0x12  }
0xb: {  	s9 =	sshrl.u32 s7, $0x1;
	s28 =	sshll.u32 s8, $0xB;
	s8 =	sshll.u32 s8, $0x12  }
0xc: {  	s7 =	ssub.s32 s7, s9;
	s4 =	sadd.s32 s4, s28;
	s5 =	sadd.s32 s10, s8  }
0xd: {  	s8 =	sadd.s32 s31, s30;
	s9 =	simm.s32 $0x5;
	s10 =	simm.s32 $0x4000  }
0xe: {  	v0 =	vimm.s32 $0x0;
	v1 =	vlaneseq.u32;
	s6 =	sadd.s32 $0x3F800, s5;
	s7 =	smax.u32 s7, $0x1;
	s8 =	sadd.s32 $0x800, s8  }
.LBB2_1:
0xf: {  	[tilespmem:s2], [sflag:$0x5] =	stream.linear.gather [hbm4b:s4+s2], $0x4000, $0x38;
	[tilespmem:$0x14000] =	vst v63  }
0x10: {  	_ =	swait.ge [sflag:s9], $0x4000  }
0x11: {  	[sflag:s9] =	ssyncset.done $0x0  }
0x12: {  	s20 =	simm.s32 $0x0;
	s21 =	simm.s32 $0x0;
	[sflag:s9] =	ssyncadd.s32 $0xFFFFC000  }
.LBB2_2:
0x13: {  	p0 =	sne.s32 s21, $0x1FFC0  }
.Ltmp0:
0x14: {  	_ = 	snop;
	(pc) =	sbr.rel @p0 .LBB2_2-.Ltmp0, $4  }
0x15: {  	s22 =	sand.u32 $0x1FC00, s21  }
0x16: {  	s23 =	sand.u32 $0xF0, s20;
	s22 =	sshrl.u32 s22, $0x2  }
0x17: {  	s22 =	sor.u32 s23, s22  }
0x18: {  	s20 =	sadd.s32 $0x10, s20;
	s21 =	sadd.s32 $0x40, s21;
	[tilespmem:s22+$0x4000] =	vst v0  }
0x19: {  	s20 =	simm.s32 $0x0  }
0x1a: {  	v2 =	vor.u32 s20, v1  }
0x1b: {  	v3 =	vmulhi.u32 $0x4EC4EC4F, v2;
	_ =	sdelay $0x1  }
0x1c: {  	v3 =	vshrl.u32 v3, $0x3  }
0x1d: {  	v4 =	vmul.u32 $0xFFFFFFE6, v3;
	_ =	sdelay $0x1  }
0x1e: {  	v5 =	vmov s20;
	v4 =	vadd.s32 v2, v4  }
0x1f: {  	vm0 =	veq.s32 v5, v1;
	vm1 =	vne.s32 v4, $0x0  }
0x20: {  	s31 =	simm.s32 $0x10;
	vm0 =	vmand vm0, vm1  }
0x21: {  	v2 =	vor.u32 s31, v1;
	v5 =	vsel vm0, $0xFFFFFFFF, v0  }
0x22: {  	v6 =	vmulhi.u32 $0x4EC4EC4F, v2;
	v5 =	vadd.s32 v5, v3  }
0x23: {  	v7 =	vmov s31;
	v8 =	vshrl.u32 v5, $0x1E  }
0x24: {  	s21 =	simm.s32 $0x20;
	vm13 =	veq.s32 v7, v1;
	v6 =	vshrl.u32 v6, $0x3;
	v8 =	vadd.s32 v8, v5  }
0x25: {  	v3 =	vor.u32 s21, v1;
	v10 =	vmul.u32 $0xFFFFFFE6, v6;
	v8 =	vshra.s32 v8, $0x2  }
0x26: {  	v9 =	vshll.u32 v5, $0x5;
	vm14 =	vlt.s32 v5, $0x1;
	v11 =	vshll.u32 v8, $0x2  }
0x27: {  	v9 =	vor.u32 v4, v9;
	v2 =	vadd.s32 v2, v10;
	vm2 =	vne.s32 v5, v11  }
0x28: {  	v4 =	vshll.u32 v4, $0x1;
	v5 =	vsub.s32 v5, v11;
	vm1 =	vmand vm14, vm2  }
0x29: {  	vm15 =	vne.s32 v2, $0x0;
	v5 =	vshll.u32 v5, $0x6;
	v7 =	vsel vm1, $0xFFFFFFFF, v0  }
0x2a: {  	vm0 =	vmand vm13, vm15;
	v5 =	vor.u32 v4, v5;
	v7 =	vadd.s32 v7, v8  }
0x2b: {  	v10 =	vsel vm0, $0xFFFFFFFF, v0;
	v5 =	vand.u32 $0xF8, v5;
	v7 =	vshll.u32 v7, $0x8  }
0x2c: {  	v4 =	vand.u32 $0x6, v4;
	v7 =	vor.u32 v5, v7;
	v5 =	vadd.s32 v10, v6;
	v6 =	vld.idx.msk [tilespmem:v9+s2+$0x0], $0xffff  }
0x2d: {  	v8 =	vmulhi.u32 $0x4EC4EC4F, v3;
	v4 =	vor.u32 v4, v7  }
0x2e: {  	s20 =	simm.s32 $0x30;
	v7 =	vmov s21;
	v9 =	vshrl.u32 v5, $0x1E  }
.LBB2_4:
0x2f: {  	v10 =	vor.u32 s20, v1;
	p0 =	sne.s32 s20, $0x33F0;
	v11 =	vshrl.u32 v8, $0x3;
	v8 =	vadd.s32 v9, v5  }
0x30: {  	v12 =	vshll.u32 v5, $0x5;
	v9 =	vmul.u32 $0xFFFFFFE6, v11;
	v8 =	vshra.s32 v8, $0x2  }
0x31: {  	v12 =	vor.u32 v2, v12;
	v6 =	vshll.u32 v6, $0x1;
	v13 =	vshll.u32 v8, $0x2  }
0x32: {  	vm0 =	veq.s32 v7, v1;
	vm1 =	vlt.s32 v5, $0x1;
	vm2 =	vne.s32 v5, v13;
	[tilespmem:v4+s10+$0x0] =	vst.idx.msk $0xffff, v6  }
0x33: {  	v4 =	vadd.s32 v3, v9;
	v5 =	vsub.s32 v5, v13;
	v3 =	vmovc v10;
	vm1 =	vmand vm1, vm2  }
0x34: {  	v7 =	vshll.u32 v2, $0x1;
	v5 =	vshll.u32 v5, $0x6;
	v2 =	vmovc v4;
	v6 =	vsel vm1, $0xFFFFFFFF, v0  }
.Ltmp1:
0x35: {  	vm1 =	vne.s32 v2, $0x0;
	v5 =	vor.u32 v7, v5;
	v4 =	vadd.s32 v6, v8;
	(pc) =	sbr.rel @p0 .LBB2_4-.Ltmp1, $4  }
0x36: {  	vm0 =	vmand vm0, vm1;
	v5 =	vand.u32 $0xF8, v5;
	v6 =	vld.idx.msk [tilespmem:v12+s2+$0x0], $0xffff;
	v4 =	vshll.u32 v4, $0x8  }
0x37: {  	v7 =	vand.u32 $0x6, v7;
	v9 =	vsel vm0, $0xFFFFFFFF, v0;
	v4 =	vor.u32 v5, v4  }
0x38: {  	v8 =	vmulhi.u32 $0x4EC4EC4F, v3;
	v5 =	vadd.s32 v9, v11;
	v4 =	vor.u32 v7, v4  }
0x39: {  	v7 =	vmov s20;
	s20 =	sadd.s32 $0x10, s20;
	v9 =	vshrl.u32 v5, $0x1E  }
0x3a: {  	v8 =	vshrl.u32 v8, $0x3  }
0x3b: {  	v9 =	vadd.s32 v9, v5;
	v10 =	vmul.u32 $0xFFFFFFE6, v8  }
0x3c: {  	v11 =	vshll.u32 v5, $0x5;
	vm0 =	vlt.s32 v5, $0x1;
	v9 =	vshra.s32 v9, $0x2  }
0x3d: {  	vm2 =	veq.s32 v7, v1;
	v12 =	vshll.u32 v9, $0x2;
	v3 =	vadd.s32 v3, v10  }
0x3e: {  	v53 =	vor.u32 v2, v11;
	vm1 =	vne.s32 v5, v12;
	vm13 =	vne.s32 v3, $0x0  }
0x3f: {  	v6 =	vshll.u32 v6, $0x1;
	vm0 =	vmand vm0, vm1;
	vm1 =	vmand vm2, vm13  }
0x40: {  	v2 =	vshll.u32 v2, $0x1;
	v54 =	vsub.s32 v5, v12;
	v56 =	vsel vm1, $0xFFFFFFFF, v0  }
0x41: {  	v5 =	vshll.u32 v54, $0x6;
	v55 =	vsel vm0, $0xFFFFFFFF, v0;
	v8 =	vadd.s32 v56, v8  }
0x42: {  	v5 =	vor.u32 v2, v5;
	v9 =	vadd.s32 v55, v9;
	v57 =	vshrl.u32 v8, $0x1E  }
0x43: {  	[tilespmem:v4+s10+$0x0] =	vst.idx.msk $0xffff, v6;
	v58 =	vand.u32 $0xF8, v5;
	v59 =	vshll.u32 v9, $0x8;
	v60 =	vadd.s32 v57, v8  }
0x44: {  	v2 =	vand.u32 $0x6, v2;
	v7 =	vld.idx.msk [tilespmem:v53+s2+$0x0], $0xffff;
	v4 =	vor.u32 v58, v59;
	v61 =	vshra.s32 v60, $0x2  }
0x45: {  	v62 =	vshll.u32 v8, $0x5;
	v2 =	vor.u32 v2, v4;
	v6 =	vshll.u32 v61, $0x2  }
0x46: {  	vm14 =	vlt.s32 v8, $0x1;
	v4 =	vor.u32 v3, v62;
	vm15 =	vne.s32 v8, v6  }
0x47: {  	v6 =	vsub.s32 v8, v6;
	vm0 =	vmand vm14, vm15  }
0x48: {  	v3 =	vshll.u32 v3, $0x1;
	v6 =	vshll.u32 v6, $0x6;
	v63 =	vsel vm0, $0xFFFFFFFF, v0  }
0x49: {  	v7 =	vshll.u32 v7, $0x1;
	v6 =	vor.u32 v3, v6;
	v5 =	vadd.s32 v63, v61  }
0x4a: {  	[tilespmem:v2+s10+$0x0] =	vst.idx.msk $0xffff, v7;
	v2 =	vand.u32 $0xF8, v6;
	v5 =	vshll.u32 v5, $0x8  }
0x4b: {  	v3 =	vand.u32 $0x6, v3;
	v4 =	vld.idx.msk [tilespmem:v4+s2+$0x0], $0xffff;
	v2 =	vor.u32 v2, v5  }
0x4c: {  	v2 =	vor.u32 v3, v2;
	_ =	sdelay $0x3  }
0x4d: {  	v3 =	vshll.u32 v4, $0x1  }
0x4e: {  	[tilespmem:v2+s10+$0x0] =	vst.idx.msk $0xffff, v3  }
0x4f: {  	[tilespmem:s12], [sflag:$0x1] =	stream.indirect.gather [hbm4b:s3+s11], $0x40, s10, s11, $0xb8;
	[tilespmem:$0x14000] =	vst v63  }
0x50: {  	_ =	swait.ge [sflag:s13], $0x4000  }
0x51: {  	[sflag:s13] =	ssyncset.done $0x0  }
0x52: {  	s20 =	simm.s32 $0x0;
	[sflag:s13] =	ssyncadd.s32 $0xFFFFC000  }
0x53: {  	[hbm4b:s5+s20] =	stream.linear.scatter [tilespmem:s12], [sflag:$0x3], $0x4000, $0x38;
	[tilespmem:$0x14000] =	vst v63  }
0x54: {  	_ = 	snop  }
0x55: {  	[tilespmem:s15], [sflag:$0x2] =	stream.indirect.gather [hbm4b:s3+s11], $0x40, s14, s11, $0xb8;
	[tilespmem:$0x14000] =	vst v63  }
0x56: {  	_ =	swait.ge [sflag:s16], $0x4000  }
0x57: {  	[sflag:s16] =	ssyncset.done $0x0  }
0x58: {  	[sflag:s16] =	ssyncadd.s32 $0xFFFFC000  }
0x59: {  	[hbm4b:s8+s2] =	stream.linear.scatter [tilespmem:s15], [sflag:$0x4], $0x4000, $0x38;
	[tilespmem:$0x14000] =	vst v63  }
0x5a: {  	_ =	swait.ge [sflag:s17], $0x4000  }
0x5b: {  	[sflag:s17] =	ssyncset.done $0x0  }
0x5c: {  	s30 =	simm.s32 $0x4200;
	[sflag:s17] =	ssyncadd.s32 $0xFFFFC000  }
0x5d: {  	[tilespmem:s12], [sflag:$0x1] =	stream.indirect.gather [hbm4b:s3+s11], $0x40, s30, s11, $0xb8;
	[tilespmem:$0x14000] =	vst v63  }
0x5e: {  	_ =	swait.ge [sflag:s13], $0x4000  }
0x5f: {  	[sflag:s13] =	ssyncset.done $0x0  }
0x60: {  	s31 =	sadd.s32 $0x800, s8;
	[sflag:s13] =	ssyncadd.s32 $0xFFFFC000  }
0x61: {  	[hbm4b:s31+s2] =	stream.linear.scatter [tilespmem:s12], [sflag:$0x3], $0x4000, $0x38;
	[tilespmem:$0x14000] =	vst v63  }
0x62: {  	_ =	swait.ge [sflag:s18], $0x4000  }
0x63: {  	s22 =	simm.s32 $0x4300;
	[sflag:s18] =	ssyncset.done $0x0  }
0x64: {  	s21 =	sadd.s32 $0x1000, s8;
	s20 =	simm.s32 $0x800;
	[sflag:s18] =	ssyncadd.s32 $0xFFFFC000  }
.LBB2_6:
0x65: {  	[tilespmem:s15], [sflag:$0x2] =	stream.indirect.gather [hbm4b:s3+s11], $0x40, s22, s11, $0xb8;
	[tilespmem:$0x14000] =	vst v63  }
0x66: {  	s22 =	smov.u32 s20  }
0x67: {  	p0 =	sne.s32 s20, $0x1F000;
	s20 =	sadd.s32 $0x800, s20;
	_ =	swait.ge [sflag:s16], $0x4000  }
0x68: {  	[sflag:s16] =	ssyncset.done $0x0  }
0x69: {  	[sflag:s16] =	ssyncadd.s32 $0xFFFFC000  }
0x6a: {  	[hbm4b:s21+s2] =	stream.linear.scatter [tilespmem:s15], [sflag:$0x4], $0x4000, $0x38;
	[tilespmem:$0x14000] =	vst v63  }
0x6b: {  	_ =	swait.ge [sflag:s17], $0x4000  }
0x6c: {  	s22 =	sshra.s32 s22, $0x2;
	[sflag:s17] =	ssyncset.done $0x0  }
0x6d: {  	s23 =	sadd.s32 $0x4200, s22;
	[sflag:s17] =	ssyncadd.s32 $0xFFFFC000  }
0x6e: {  	[tilespmem:s12], [sflag:$0x1] =	stream.indirect.gather [hbm4b:s3+s11], $0x40, s23, s11, $0xb8;
	[tilespmem:$0x14000] =	vst v63  }
0x6f: {  	_ =	swait.ge [sflag:s13], $0x4000  }
0x70: {  	[sflag:s13] =	ssyncset.done $0x0  }
.Ltmp2:
0x71: {  	s23 =	sadd.s32 $0x800, s21;
	[sflag:s13] =	ssyncadd.s32 $0xFFFFC000;
	(pc) =	sbr.rel @p0 .LBB2_6-.Ltmp2, $4  }
0x72: {  	[hbm4b:s23+s2] =	stream.linear.scatter [tilespmem:s12], [sflag:$0x3], $0x4000, $0x38;
	[tilespmem:$0x14000] =	vst v63  }
0x73: {  	_ =	swait.ge [sflag:s18], $0x4000  }
0x74: {  	[sflag:s18] =	ssyncset.done $0x0  }
0x75: {  	s22 =	sadd.s32 $0x4300, s22;
	s21 =	sadd.s32 $0x1000, s21;
	[sflag:s18] =	ssyncadd.s32 $0xFFFFC000  }
0x76: {  	[tilespmem:s15], [sflag:$0x2] =	stream.indirect.gather [hbm4b:s3+s11], $0x40, s22, s11, $0xb8;
	[tilespmem:$0x14000] =	vst v63  }
0x77: {  	_ =	swait.ge [sflag:s16], $0x4000  }
0x78: {  	[sflag:s16] =	ssyncset.done $0x0  }
0x79: {  	s19 =	sadd.s32 $0x1, s19;
	[sflag:s16] =	ssyncadd.s32 $0xFFFFC000  }
0x7a: {  	[hbm4b:s6+s2] =	stream.linear.scatter [tilespmem:s15], [sflag:$0x4], $0x4000, $0x38;
	[tilespmem:$0x14000] =	vst v63  }
0x7b: {  	p0 =	sne.s32 s19, s7;
	_ =	swait.ge [sflag:s17], $0x4000  }
.Ltmp3:
0x7c: {  	[sflag:s17] =	ssyncset.done $0x0;
	(pc) =	sbr.rel @p0 .LBB2_1-.Ltmp3, $4  }
0x7d: {  	[sflag:s17] =	ssyncadd.s32 $0xFFFFC000  }
0x7e: {  	_ =	swait.ge [sflag:s18], $0x4000  }
0x7f: {  	[sflag:s18] =	ssyncset.done $0x0  }
0x80: {  	[sflag:s18] =	ssyncadd.s32 $0xFFFFC000  }
0x81: {  	_ =	sfence.sel $0x180000  }
0x82: {  	[bflag:$0x0] =	sbarrier.arrive $0xFFFF  }
0x83: {  	p0 =	sne.s32 s1, $0x0;
	_ =	strace $0x90000047  }
0x84: {  	s0 =	sadd.s32 @!p0 $0x100000, s0;
	[bflag:$0x2] =	sbarrier.arrive $0xFFFF  }
0x85: {  	[sflag:s0] =	ssyncadd.tile.s32 @!p0 $0x1;
	_ =	shalt  }
.Lfunc_end2:
_tile_overlayer_lowered:
.L_overlay_start_2:
0x86: {  	(tag) =	ssettag $0x2  }
0x87: {  	s0 =	rddreg [dreg:$0x0];
	s2 =	stileid.u32  }
0x88: {  	s1 =	rddreg [dreg:$0x1];
	p0 =	sne.s32 s2, $0x0  }
0x89: {  	s3 =	rddreg [dreg:$0x2];
	[bflag:$0x3] =	sbarrier.arrive $0xFFFF;
	s2 =	simm.s32 @!p0 $0x1C05  }
0x8a: {  	[timem:s3], [sflag:s2] =	dma.local @!p0 [hbm:s0], s1  }
0x8b: {  	s0 =	simm.s32 @!p0 $0x5  }
0x8c: {  	_ =	swait.ge @!p0 [sflag:s0], s1  }
0x8d: {  	s1 =	ssub.s32 @!p0 $0x0, s1;
	[sflag:s0] =	ssyncset.done @!p0 $0x0  }
0x8e: {  	[sflag:s0] =	ssyncadd.s32 @!p0 s1  }
0x8f: {  	[bflag:$0x3] =	sbarrier.arrive $0xFFFF  }
0x90: {  	_ =	shalt  }

// kernel: sparse-core-data-format-call.cloned.1.call-start
scs
called_computation_lowered:
.L_overlay_start_0:
0x0: {  	s2 =	sld [smem:$0x3FD9]  }
0x1: {  	s3 =	sld [smem:$0x3FFE];
	_ =	sdelay $0x1  }
0x2: {  	s1 =	srdreg.scid  }
0x3: {  	s0 =	sand.u32 $0x1, s1  }
0x4: {  	s18 =	sshll.u32 s0, $0xA;
	s2 =	sadd.s32 s3, s2  }
0x5: {  	s2 =	sadd.s32 s2, s18  }
0x6: {  	[smem:$0x3FC6] =	sst s2  }
0x7: {  	_ = 	snop  }
0x8: {  	s2 =	sld [smem:$0x3FD0];
	(tm) =	ssettm $0x1  }
0x9: {  	s19 =	sld [smem:$0x3FFB];
	_ =	sdelay $0x3  }
0xa: {  	_ =	strace s19  }
0xb: {  	s3 =	sld [smem:$0x3FFC];
	_ =	sdelay $0x3  }
0xc: {  	_ =	strace s3  }
0xd: {  	s3 =	sld [smem:$0x3FFD];
	_ =	sdelay $0x3  }
0xe: {  	_ =	strace s3  }
0xf: {  	_ =	strace $0x8FFFFFFF  }
0x10: {  	s20 =	sld [smem:$0x3FDB];
	_ =	sdelay $0x1  }
0x11: {  	s4 =	simm.s32 $_scs_section_size  }
0x12: {  	s5 =	simm.s32 $_size__tile_overlayer_lowered;
	s6 =	simm.s32 $_tile_overlayer_lowered  }
0x13: {  	s23 =	simm.s32 $0x1BFF;
	s22 =	sshll.u32 s6, $0x1;
	s3 =	sadd.s32 s4, s20  }
0x14: {  	s7 =	simm.s32 $0x0;
	s21 =	sshll.u32 s5, $0x1;
	s5 =	sadd.s32 s22, s3  }
0x15: {  	[timem:s7], [sflag:s23] =	dma.local [hbm:s5], s21  }
0x16: {  	_ =	swait.ge [sflag:s23], s21  }
0x17: {  	s4 =	ssub.s32 $0x0, s21;
	[sflag:s23] =	ssyncset.done $0x0  }
0x18: {  	[sflag:s23] =	ssyncadd.s32 s4;
	_ =	sdelay $0x1  }
0x19: {  	s24 =	simm.s32 $0x1B8B  }
0x1a: {  	_ =	swait.ge [sflag:s24], $0x1  }
0x1b: {  	[sflag:s24] =	ssyncset.done $0x0  }
0x1c: {  	s26 =	simm.s32 $0x1B8E;
	s25 =	sld [smem:$0x3FFE];
	[sflag:s24] =	ssyncadd.s32 $0xFFFFFFFF  }
0x1d: {  	s27 =	simm.s32 $execute0_lowered;
	[smem:$0x3FD2] =	sst s26  }
0x1e: {  	s5 =	sshll.u32 s27, $0x1;
	_ =	strace $0x80000049;
	[dreg:$0x1] =	wrdreg $0xFFFFFFFF  }
0x1f: {  	s28 =	simm.s32 $_size_execute0_lowered;
	s3 =	sadd.s32 s3, s5;
	[dreg:$0x0] =	wrdreg $0x0  }
0x20: {  	s5 =	sshll.u32 s28, $0x1;
	[dreg:$0x2] =	wrdreg s3  }
0x21: {  	[dreg:$0x3] =	wrdreg s5  }
0x22: {  	[dreg:$0x4] =	wrdreg $0xC0  }
0x23: {  	_ =	task [dreg:s7], $0x5FFFF  }
0x24: {  	[dreg:$0x1] =	wrdreg $0xFFFFFFFF  }
0x25: {  	[dreg:$0x0] =	wrdreg $0x60  }
0x26: {  	[dreg:$0x2] =	wrdreg s25  }
0x27: {  	[dreg:$0x3] =	wrdreg s2  }
0x28: {  	[dreg:$0x4] =	wrdreg $0x9  }
0x29: {  	_ =	task.clear_ibuf [dreg:s7], $0x5FFFF;
	_ =	strace $0x90000049  }
0x2a: {  	s29 =	simm.s32 $0x9;
	_ =	strace $0x8000004B  }
0x2b: {  	_ =	swait.ge [sflag:s29], $0x1  }
0x2c: {  	[sflag:s29] =	ssyncadd.s32 $0xFFFFFFFF  }
0x2d: {  	_ =	strace $0x9000004B  }
0x2e: {  	_ =	sfence  }
0x2f: {  	s30 =	sld [smem:$0x0];
	_ =	sdelay $0x2  }
0x30: {  	s31 =	sshll.u32 s1, $0xD;
	s1 =	sshrl.u32 s1, $0x2  }
0x31: {  	s3 =	sand.u32 $0x4000, s31;
	s1 =	sadd.s32 s1, s30  }
0x32: {  	s0 =	sor.u32 s3, s0;
	s1 =	sshll.u32 s1, $0x11  }
0x33: {  	s0 =	sor.u32 s1, s0  }
0x34: {  	s0 =	sadd.s32 $0x8F2B, s0  }
0x35: {  	[sflag:s0] =	ssyncadd.remote.s32 $0x1  }
0x36: {  	_ =	sfence.sel $0xFFFF  }
0x37: {  	[dreg:$0x0] =	wrdreg $0xFFFFFFFF;
	(pc) =	sbr.abs _section_cstart, $3  }
0x38: {  	[dreg:$0x1] =	wrdreg $0xFFFFFFFF  }
0x39: {  	_ =	task.clear_ibuf [dreg:s7], $0x2FFFF;
	_ =	strace $0x9FFFFFFF  }
0x3a: {  	(tm) =	ssettm $0x7FFFFFFF  }
0x3b: {  	_ =	shalt  }
tec
execute0_lowered:
.L_overlay_start_1:
0x0: {  	(tag) =	ssettag $0x1  }
0x1: {  	s0 =	srdreg.scid  }
0x2: {  	s1 =	sshll.u32 s0, $0x4  }
0x3: {  	s0 =	stileid.u32;
	s1 =	sand.u32 $0x10, s1  }
0x4: {  	s1 =	sor.u32 s0, s1  }
0x5: {  	s6 =	rddreg [dreg:$0x0];
	s4 =	simm.s32 $0x1;
	s2 =	sshll.u32 s1, $0x7  }
0x6: {  	s7 =	simm.s32 $0x2;
	s12 =	simm.s32 $0x0;
	s1 =	ssub.s32 $0x4000, s2  }
0x7: {  	s8 =	simm.s32 $0x20000;
	s13 =	simm.s32 $0x0;
	s3 =	sand.u32 $0xF80, s1  }
0x8: {  	s9 =	simm.s32 $0x0;
	s5 =	sshrl.u32 s1, $0xC;
	p0 =	sne.s32 s3, $0x0  }
.Ltmp0:
0x9: {  	s1 =	rddreg [dreg:$0x2];
	s4 =	simm.s32 @!p0 $0x0;
	(pc) =	sbr.rel .LBB1_1-.Ltmp0, $4  }
0xa: {  	s11 =	simm.s32 $0x0;
	s3 =	rddreg [dreg:$0x1];
	s5 =	sadd.s32 s4, s5  }
0xb: {  	_ =	strace $0x8000004A;
	s4 =	simm.s32 $0x1;
	s5 =	smul.u32 $0x1A, s5  }
0xc: {  	s6 =	sadd.s32 $0xA00, s6;
	s10 =	smov.u32 s2;
	[sflag:s4] =	ssyncpa.u1 $0x0  }
0xd: {  	p0 =	por $0x0, $0x0;
	[sflag:s7] =	ssyncpa.u1 $0x0;
	s7 =	sor.u32 $0x1, s5  }
.LBB1_4:
0xe: {  	s16 =	sshll.u32 s13, $0x3;
	s17 =	sand.u32 $0x78, s13  }
0xf: {  	s30 =	sand.u32 $0x1F800, s13;
	s12 =	sshll.u32 s12, $0x11;
	s16 =	sand.u32 $0x3C00, s16  }
0x10: {  	[tilespmem:s15+$0x810 ss:$0x81] =	vst.msk $0xffff, v2;
	s31 =	sand.u32 $0x7, s13;
	s16 =	sor.u32 s17, s16;
	s17 =	sadd.s32 s3, s30  }
0x11: {  	[tilespmem:s15+$0x1020 ss:$0x81] =	vst.msk $0xffff, v0;
	s13 =	sshll.u32 s31, $0x12;
	s12 =	sadd.s32 s12, s17;
	s16 =	sshrl.u32 s16, $0x3  }
0x12: {  	[tilespmem:s15+$0x0 ss:$0x81] =	vst.msk $0xffff, v1;
	s13 =	sor.u32 $0x400, s13;
	s12 =	sadd.s32 s16, s12  }
0x13: {  	[hbm4b:s12+s13] =	stream.strided.scatter [tilespmem:s14], [sflag:$0x2], $0x2000, s8, s13, $0x20;
	[tilespmem:$0x8080] =	vst v63  }
.LBB1_5:
0x14: {  	s14 =	sadd.s32 $0x1, s9  }
0x15: {  	s12 =	sadd.s32 $0x1000, s10;
	s16 =	smov.u32 s10;
	p2 =	sgt.s32 s14, $0x19  }
0x16: {  	s16 =	smov.u32 @p2 s12  }
0x17: {  	s14 =	simm.s32 @p2 $0x0;
	p2 =	sgt.s32 s16, $0x3FFF  }
0x18: {  	s16 =	smov.u32 @p2 s2;
	p2 =	sne.s32 s11, s7  }
.Ltmp1:
0x19: {  	p1 =	slt.u32 s11, $0x2;
	(pc) =	sbr.rel @!p2 .LBB1_6-.Ltmp1, $4  }
0x1a: {  	s15 =	simm.s32 @!p1 $0x2  }
0x1b: {  	s13 =	smov.u32 s10;
	p0 =	por !p0, !p0;
	_ =	swait.ge @!p1 [sflag:s15], $0x2000  }
0x1c: {  	s12 =	smov.u32 s9;
	[sflag:s15] =	ssyncset.done @!p1 $0x0;
	s9 =	smov.u32 s14  }
0x1d: {  	s11 =	sadd.s32 $0x1, s11;
	[sflag:s15] =	ssyncadd.s32 @!p1 $0xFFFFE000;
	s10 =	smov.u32 s16  }
.LBB1_1:
0x1e: {  	p1 =	sge.u32 s11, s5  }
0x1f: {  	s31 =	sadd.s32 $0xFFFFFFFF, s11;
	s14 =	sxor.u32 @!p1 $0xFFFFFFFF, s11  }
0x20: {  	s15 =	sshll.u32 @!p1 s10, $0x9;
	s16 =	sshll.u32 @!p1 s9, $0x4;
	s17 =	simm.s32 @!p1 $0x1000  }
0x21: {  	s14 =	sshll.u32 @!p1 s14, $0xD;
	s16 =	sand.u32 @!p1 $0x1F0, s16;
	s15 =	sadd.s32 @!p1 s6, s15  }
0x22: {  	s14 =	sand.u32 @!p1 $0x2000, s14;
	s15 =	sadd.s32 @!p1 s16, s15;
	s16 =	simm.s32 @!p1 $0x40  }
0x23: {  	[tilespmem:s14], [sflag:$0x1] =	stream.strided.gather @!p1 [hbm4b:s15+s16], $0x2000, s17, s16, $0x38;
	[tilespmem:$0x8080] =	vst v63  }
0x24: {  	p1 =	sge.u32 s31, s5  }
.Ltmp2:
0x25: {  	_ = 	snop;
	(pc) =	sbr.rel @p1 .LBB1_5-.Ltmp2, $1  }
0x26: {  	_ =	sdelay $0x3  }
0x27: {  	s14 =	simm.s32 $0x1  }
0x28: {  	_ =	swait.ge [sflag:s4], $0x2000;
	s14 =	simm.s32 @!p0 $0x0  }
0x29: {  	[sflag:s4] =	ssyncset.done $0x0;
	s15 =	sshll.u32 s14, $0xD  }
0x2a: {  	[sflag:s4] =	ssyncadd.s32 $0xFFFFE000;
	s18 =	sor.u32 $0x20, s15  }
0x2b: {  	s14 =	smul.u32 $0x8100, s14;
	v3 =	vld [tilespmem:s18+$0x10]  }
0x2c: {  	s30 =	sand.u32 $0x1, s11;
	v2 =	vld [tilespmem:s18+$0xFFFFFFF0]  }
0x2d: {  	s15 =	smul.u32 $0x8100, s30;
	s14 =	sshrl.u32 s14, $0x2;
	v0 =	vld [tilespmem:s18+$0x0]  }
0x2e: {  	v1 =	vld [tilespmem:s18+$0xFFFFFFE0];
	s16 =	sor.u32 $0x4000, s14  }
0x2f: {  	s31 =	sshrl.u32 s15, $0x2;
	s15 =	sadd.s32 $0x0, s16  }
0x30: {  	s17 =	simm.s32 $0x4;
	s18 =	sadd.s32 $0x40, s18;
	s14 =	sor.u32 $0x4000, s31;
	[tilespmem:s15+$0x1830 ss:$0x81] =	vst.msk $0xffff, v3  }
.LBB1_3:
0x31: {  	v3 =	vld [tilespmem:s18+$0x10];
	p1 =	sne.s32 s17, $0x1FC;
	[tilespmem:s15+$0x810 ss:$0x81] =	vst.msk $0xffff, v2;
	s19 =	smov.u32 s17;
	s17 =	sadd.s32 $0x4, s17  }
.Ltmp3:
0x32: {  	v2 =	vld [tilespmem:s18+$0xFFFFFFF0];
	[tilespmem:s15+$0x1020 ss:$0x81] =	vst.msk $0xffff, v0;
	(pc) =	sbr.rel @p1 .LBB1_3-.Ltmp3, $4  }
0x33: {  	v0 =	vld [tilespmem:s18+$0x0];
	[tilespmem:s15+$0x0 ss:$0x81] =	vst.msk $0xffff, v1  }
0x34: {  	s15 =	sshra.s32 s19, $0x2;
	v1 =	vld [tilespmem:s18+$0xFFFFFFE0]  }
0x35: {  	s15 =	sadd.s32 s15, s16  }
0x36: {  	s18 =	sadd.s32 $0x40, s18;
	[tilespmem:s15+$0x1830 ss:$0x81] =	vst.msk $0xffff, v3  }
.Ltmp4:
0x37: {  	_ = 	snop;
	(pc) =	sbr.rel .LBB1_4-.Ltmp4, $1  }
0x38: {  	_ =	sdelay $0x3  }
.LBB1_6:
0x39: {  	_ =	sfence.sel $0x180000  }
0x3a: {  	s2 =	simm.s32 $0x1;
	[bflag:$0x0] =	sbarrier.arrive $0xFFFF  }
0x3b: {  	s31 =	simm.s32 $0x2;
	[sflag:s2] =	ssyncpa.u1 $0x1  }
0x3c: {  	[sflag:s31] =	ssyncpa.u1 $0x1  }
0x3d: {  	p0 =	sne.s32 s0, $0x0;
	_ =	strace $0x9000004A  }
0x3e: {  	s0 =	sadd.s32 @!p0 $0x100000, s1;
	[bflag:$0x2] =	sbarrier.arrive $0xFFFF  }
0x3f: {  	[sflag:s0] =	ssyncadd.tile.s32 @!p0 $0x1;
	_ =	shalt  }
.Lfunc_end1:
_tile_overlayer_lowered:
.L_overlay_start_2:
0x40: {  	(tag) =	ssettag $0x2  }
0x41: {  	s0 =	rddreg [dreg:$0x0];
	s2 =	stileid.u32  }
0x42: {  	s1 =	rddreg [dreg:$0x1];
	p0 =	sne.s32 s2, $0x0  }
0x43: {  	s3 =	rddreg [dreg:$0x2];
	[bflag:$0x3] =	sbarrier.arrive $0xFFFF;
	s2 =	simm.s32 @!p0 $0x1C01  }
0x44: {  	[timem:s3], [sflag:s2] =	dma.local @!p0 [hbm:s0], s1  }
0x45: {  	s0 =	simm.s32 @!p0 $0x1  }
0x46: {  	_ =	swait.ge @!p0 [sflag:s0], s1  }
0x47: {  	s1 =	ssub.s32 @!p0 $0x0, s1;
	[sflag:s0] =	ssyncset.done @!p0 $0x0  }
0x48: {  	[sflag:s0] =	ssyncadd.s32 @!p0 s1  }
0x49: {  	[bflag:$0x3] =	sbarrier.arrive $0xFFFF  }
0x4a: {  	_ =	shalt  }

</sc_bundles>
